<compile_context>
chip_gen: v7x
topology: tpu7x:2x2x1
jax: 0.10.2.dev20260603
libtpu: 0.0.44.dev20260713+nightly
codegen_flags: <defaults>
</compile_context>

<pallas_src>
import functools

import jax
import jax.numpy as jnp
from jax import lax
from jax.experimental import pallas as pl
from jax.experimental.pallas import tpu as pltpu
from jax.experimental.pallas import tpu_sc as plsc

B = 16384
ALPHA = 0.5
MARGIN = 1.0
NS = 16
L = 16
CHUNK = B // NS
STEPS = CHUNK // L

_mesh = plsc.VectorSubcoreMesh(
    core_axis_name="c", subcore_axis_name="s", num_cores=1, num_subcores=NS
)


@functools.partial(
    pl.kernel,
    out_type=[
        jax.ShapeDtypeStruct((1,), jnp.float32),
        jax.ShapeDtypeStruct((1,), jnp.float32),
    ],
    mesh=_mesh,
    scratch_types=[
        pltpu.VMEM((2 * CHUNK,), jnp.float32),
        pltpu.VMEM((CHUNK,), jnp.int32),
        pltpu.VMEM((CHUNK,), jnp.float32),
        pltpu.VMEM((CHUNK,), jnp.float32),
        pltpu.VMEM((2, L), jnp.float32),
        pltpu.SMEM((2,), jnp.int32),
        pltpu.SemaphoreType.DMA,
    ],
    compiler_params=pltpu.CompilerParams(needs_layout_passes=False),
)
def _loss_kernel(inp_hbm, tgt_hbm, scan_hbm, diag_hbm, o1_hbm, o2_hbm,
                 inp_v, tgt_v, scan_v, diag_v, st_v, acc_smem, sem):
    sid = lax.axis_index("s")
    base = sid * CHUNK

    copies = [
        pltpu.async_copy(inp_hbm.at[pl.ds(2 * base, 2 * CHUNK)], inp_v, sem),
        pltpu.async_copy(tgt_hbm.at[pl.ds(base, CHUNK)], tgt_v, sem),
        pltpu.async_copy(scan_hbm.at[pl.ds(base, CHUNK)], scan_v, sem),
        pltpu.async_copy(diag_hbm.at[pl.ds(base, CHUNK)], diag_v, sem),
    ]

    @pl.when(sid == 0)
    def _():
        acc_smem[0] = 0
        acc_smem[1] = 0

    plsc.subcore_barrier()
    for c in copies:
        c.wait()

    lane = lax.iota(jnp.int32, L)

    def body(i, accs):
        acc0, acc1 = accs
        off = i * L
        rows2 = (lane + off) * 2
        t = tgt_v[pl.ds(off, L)]
        sc = scan_v[pl.ds(off, L)]
        dg = diag_v[pl.ds(off, L)]

        ip = rows2 + t
        picked = plsc.load_gather(inp_v, [ip])
        other = plsc.load_gather(inp_v, [ip ^ 1])

        s = other - picked
        u = jnp.exp(-jnp.abs(s))
        r = u / (u + 2.0)
        r2 = r * r
        p = 1.0 / 7.0
        p = p * r2 + 1.0 / 5.0
        p = p * r2 + 1.0 / 3.0
        p = p * r2 + 1.0
        ce = jnp.maximum(s, 0.0) + (2.0 * r) * p
        acc0 = acc0 + ce

        d0 = sc - dg
        pos = t > 0
        diff = jnp.where(pos, d0 + MARGIN, jnp.minimum(0.0, d0 - MARGIN))
        diff = jnp.where(pos & (dg < -MARGIN), jnp.maximum(0.0, sc + MARGIN), diff)
        acc1 = acc1 + diff * diff
        return acc0, acc1

    zero = jnp.zeros((L,), jnp.float32)
    acc0, acc1 = lax.fori_loop(0, STEPS, body, (zero, zero), unroll=8)

    SCALE = 256.0
    q0 = (jnp.sum(acc0) * SCALE + 0.5).astype(jnp.int32)
    q1 = (jnp.sum(acc1) * SCALE + 0.5).astype(jnp.int32)
    plsc.fetch_and_add(acc_smem.at[0], q0, subcore_id=0)
    plsc.fetch_and_add(acc_smem.at[1], q1, subcore_id=0)
    plsc.subcore_barrier()

    @pl.when(sid == 0)
    def _():
        it0 = acc_smem[0].astype(jnp.float32) * (1.0 / (SCALE * B))
        it1 = acc_smem[1].astype(jnp.float32) * (1.0 / (SCALE * B))
        loss = it0 + ALPHA * it1
        st_v[0, :] = jnp.full((L,), it1, jnp.float32)
        st_v[1, :] = jnp.full((L,), loss, jnp.float32)
        pltpu.sync_copy(st_v.at[0, pl.ds(0, 1)], o1_hbm)
        pltpu.sync_copy(st_v.at[1, pl.ds(0, 1)], o2_hbm)


def kernel(inputs, targets, scan_t, diag_t):
    it1, loss = _loss_kernel(jnp.reshape(inputs, (-1,)), targets, scan_t, diag_t)
    return jnp.reshape(it1, ()), jnp.reshape(loss, ())

# --- scband reference (transcript-rebuilt; emitter-appended) ---
"""Pipeline reference for scband-reg-bl0715-76544907149778 (READ-ONLY COPY).

The authoritative reference and input builder live on the scoring server;
editing this copy changes nothing except your own understanding.
"""

import jax, jax.numpy as jnp
import numpy as np

ALPHA = 0.5
MARGIN = 1.0
B = 16384


def setup_inputs(seed: int = 0) -> dict:
    key = jax.random.key(seed)
    k1, k2, k3, k4 = jax.random.split(key, 4)
    inputs = jax.random.normal(k1, (B, 2), dtype=jnp.float32)
    targets = jax.random.randint(k2, (B,), 0, 2, dtype=jnp.int32)
    scan_t = jax.random.normal(k3, (B,), dtype=jnp.float32)
    diag_t = jax.random.normal(k4, (B,), dtype=jnp.float32)
    return {"inputs": inputs, "targets": targets, "scan_t": scan_t, "diag_t": diag_t}


def reference(inputs, targets, scan_t, diag_t):
    # it0 = CrossEntropyLoss(inputs, targets) with mean reduction
    logZ = jax.scipy.special.logsumexp(inputs, axis=1)
    picked = jnp.take_along_axis(inputs, targets[:, None].astype(jnp.int32), axis=1)[:, 0]
    it0 = jnp.mean(logZ - picked)

    margin = MARGIN
    diff = scan_t - diag_t + margin
    diff_neg = scan_t - diag_t - margin
    non_cancer = jnp.minimum(jnp.zeros_like(diff_neg), diff_neg)
    cancer_neg_t = jnp.maximum(jnp.zeros_like(scan_t), scan_t + margin)
    # diff[targets <= 0.5] = non_cancer[targets <= 0.5]
    diff = jnp.where(targets <= 0.5, non_cancer, diff)
    # diff[(targets > 0.5) & (diag_t < -margin)] = cancer_neg_t[...]
    diff = jnp.where((targets > 0.5) & (diag_t < -margin), cancer_neg_t, diff)
    it1 = jnp.mean(diff * diff)
    batch_loss = it0 + ALPHA * it1
    return (it1, batch_loss)

if __name__ == "__main__":
    import jax
    _d = setup_inputs()
    print(jax.jit(kernel)(*tuple(_d.values())))

</pallas_src>

<mosaic_0001>
#map = affine_map<(d0, d1) -> (0)>
module attributes {stable_mosaic.version = 14 : i64} {
  func.func @_loss_kernel(%arg0: i32, %arg1: i32, %arg2: memref<32768xf32, #tpu.memory_space<hbm>>, %arg3: memref<16384xi32, #tpu.memory_space<hbm>>, %arg4: memref<16384xf32, #tpu.memory_space<hbm>>, %arg5: memref<16384xf32, #tpu.memory_space<hbm>>, %arg6: memref<1xf32, #tpu.memory_space<hbm>>, %arg7: memref<1xf32, #tpu.memory_space<hbm>>, %arg8: memref<2048xf32, #tpu.memory_space<vmem>>, %arg9: memref<1024xi32, #tpu.memory_space<vmem>>, %arg10: memref<1024xf32, #tpu.memory_space<vmem>>, %arg11: memref<1024xf32, #tpu.memory_space<vmem>>, %arg12: memref<2x16xf32, #tpu.memory_space<vmem>>, %arg13: memref<2xi32, #tpu.memory_space<smem>>, %arg14: memref<!tpu.dma_semaphore, #tpu.memory_space<semaphore_mem>>) attributes {dimension_semantics = [#tpu.dimension_semantics<core_parallel>, #tpu.dimension_semantics<subcore_parallel>], iteration_bounds = array<i64: 1, 16>, scalar_prefetch = 0 : i64, scratch_operands = 7 : i64, tpu.core_type = #tpu.core_type<sc_vector_subcore>, window_params = [{transform_indices = #map}, {transform_indices = #map}, {transform_indices = #map}, {transform_indices = #map}, {transform_indices = #map}, {transform_indices = #map}]} {
    %mul3A = arith.constant 1024 : i32
    %mul3A_0 = arith.muli %arg1, %mul3A : i32
    %mul3A_1 = arith.constant 2 : i32
    %mul3A_2 = arith.muli %mul3A_1, %mul3A_0 : i32
    %dma_start3A = tpu.memref_slice %arg2[%mul3A_2] : memref<32768xf32, #tpu.memory_space<hbm>> -> memref<2048xf32, #tpu.memory_space<hbm>>
    %dma_start3A_3 = tpu.memref_slice %arg2[%mul3A_2] : memref<32768xf32, #tpu.memory_space<hbm>> -> memref<2048xf32, #tpu.memory_space<hbm>>
    tpu.enqueue_dma source(%dma_start3A_3 : memref<2048xf32, #tpu.memory_space<hbm>>) target(%arg8 : memref<2048xf32, #tpu.memory_space<vmem>>) target_semaphore(%arg14 : memref<!tpu.dma_semaphore, #tpu.memory_space<semaphore_mem>>)
    %dma_start3A_4 = tpu.memref_slice %arg3[%mul3A_0] : memref<16384xi32, #tpu.memory_space<hbm>> -> memref<1024xi32, #tpu.memory_space<hbm>>
    %dma_start3A_5 = tpu.memref_slice %arg3[%mul3A_0] : memref<16384xi32, #tpu.memory_space<hbm>> -> memref<1024xi32, #tpu.memory_space<hbm>>
    tpu.enqueue_dma source(%dma_start3A_5 : memref<1024xi32, #tpu.memory_space<hbm>>) target(%arg9 : memref<1024xi32, #tpu.memory_space<vmem>>) target_semaphore(%arg14 : memref<!tpu.dma_semaphore, #tpu.memory_space<semaphore_mem>>)
    %dma_start3A_6 = tpu.memref_slice %arg4[%mul3A_0] : memref<16384xf32, #tpu.memory_space<hbm>> -> memref<1024xf32, #tpu.memory_space<hbm>>
    %dma_start3A_7 = tpu.memref_slice %arg4[%mul3A_0] : memref<16384xf32, #tpu.memory_space<hbm>> -> memref<1024xf32, #tpu.memory_space<hbm>>
    tpu.enqueue_dma source(%dma_start3A_7 : memref<1024xf32, #tpu.memory_space<hbm>>) target(%arg10 : memref<1024xf32, #tpu.memory_space<vmem>>) target_semaphore(%arg14 : memref<!tpu.dma_semaphore, #tpu.memory_space<semaphore_mem>>)
    %dma_start3A_8 = tpu.memref_slice %arg5[%mul3A_0] : memref<16384xf32, #tpu.memory_space<hbm>> -> memref<1024xf32, #tpu.memory_space<hbm>>
    %dma_start3A_9 = tpu.memref_slice %arg5[%mul3A_0] : memref<16384xf32, #tpu.memory_space<hbm>> -> memref<1024xf32, #tpu.memory_space<hbm>>
    tpu.enqueue_dma source(%dma_start3A_9 : memref<1024xf32, #tpu.memory_space<hbm>>) target(%arg11 : memref<1024xf32, #tpu.memory_space<vmem>>) target_semaphore(%arg14 : memref<!tpu.dma_semaphore, #tpu.memory_space<semaphore_mem>>)
    %eq3A = arith.constant 0 : i32
    %eq3A_10 = arith.cmpi eq, %arg1, %eq3A : i32
    %convert_element_type3A = arith.extui %eq3A_10 : i1 to i32
    %cond3A = arith.constant 0 : i32
    %cond3A_11 = arith.cmpi ne, %convert_element_type3A, %cond3A : i32
    scf.if %cond3A_11 {
      %swap3A = arith.constant 0 : i32
      %swap3A_52 = arith.constant 0 : i32
      %swap3A_53 = arith.index_cast %swap3A_52 : i32 to index
      %swap3A_54 = memref.load %arg13[%swap3A_53] : memref<2xi32, #tpu.memory_space<smem>>
      memref.store %swap3A, %arg13[%swap3A_53] : memref<2xi32, #tpu.memory_space<smem>>
      %swap3A_55 = arith.constant 0 : i32
      %swap3A_56 = arith.constant 1 : i32
      %swap3A_57 = arith.index_cast %swap3A_56 : i32 to index
      %swap3A_58 = memref.load %arg13[%swap3A_57] : memref<2xi32, #tpu.memory_space<smem>>
      memref.store %swap3A_55, %arg13[%swap3A_57] : memref<2xi32, #tpu.memory_space<smem>>
    } else {
    }
    %barrier3A = arith.constant 0 : index
    tpu.barrier barrier_id(%barrier3A)
    %dma_wait3A = tpu.memref_slice %arg2[%mul3A_2] : memref<32768xf32, #tpu.memory_space<hbm>> -> memref<2048xf32, #tpu.memory_space<hbm>>
    %dma_wait3A_12 = tpu.memref_slice %arg2[%mul3A_2] : memref<32768xf32, #tpu.memory_space<hbm>> -> memref<2048xf32, #tpu.memory_space<hbm>>
    tpu.wait_dma2 semaphore(%arg14 : memref<!tpu.dma_semaphore, #tpu.memory_space<semaphore_mem>>) src(%dma_wait3A_12 : memref<2048xf32, #tpu.memory_space<hbm>>) dst(%arg8 : memref<2048xf32, #tpu.memory_space<vmem>>)
    %dma_wait3A_13 = tpu.memref_slice %arg3[%mul3A_0] : memref<16384xi32, #tpu.memory_space<hbm>> -> memref<1024xi32, #tpu.memory_space<hbm>>
    %dma_wait3A_14 = tpu.memref_slice %arg3[%mul3A_0] : memref<16384xi32, #tpu.memory_space<hbm>> -> memref<1024xi32, #tpu.memory_space<hbm>>
    tpu.wait_dma2 semaphore(%arg14 : memref<!tpu.dma_semaphore, #tpu.memory_space<semaphore_mem>>) src(%dma_wait3A_14 : memref<1024xi32, #tpu.memory_space<hbm>>) dst(%arg9 : memref<1024xi32, #tpu.memory_space<vmem>>)
    %dma_wait3A_15 = tpu.memref_slice %arg4[%mul3A_0] : memref<16384xf32, #tpu.memory_space<hbm>> -> memref<1024xf32, #tpu.memory_space<hbm>>
    %dma_wait3A_16 = tpu.memref_slice %arg4[%mul3A_0] : memref<16384xf32, #tpu.memory_space<hbm>> -> memref<1024xf32, #tpu.memory_space<hbm>>
    tpu.wait_dma2 semaphore(%arg14 : memref<!tpu.dma_semaphore, #tpu.memory_space<semaphore_mem>>) src(%dma_wait3A_16 : memref<1024xf32, #tpu.memory_space<hbm>>) dst(%arg10 : memref<1024xf32, #tpu.memory_space<vmem>>)
    %dma_wait3A_17 = tpu.memref_slice %arg5[%mul3A_0] : memref<16384xf32, #tpu.memory_space<hbm>> -> memref<1024xf32, #tpu.memory_space<hbm>>
    %dma_wait3A_18 = tpu.memref_slice %arg5[%mul3A_0] : memref<16384xf32, #tpu.memory_space<hbm>> -> memref<1024xf32, #tpu.memory_space<hbm>>
    tpu.wait_dma2 semaphore(%arg14 : memref<!tpu.dma_semaphore, #tpu.memory_space<semaphore_mem>>) src(%dma_wait3A_18 : memref<1024xf32, #tpu.memory_space<hbm>>) dst(%arg11 : memref<1024xf32, #tpu.memory_space<vmem>>)
    %iota3A = tpu.iota {dimensions = array<i32: 0>} : vector<16xi32>
    %broadcast_in_dim3A = arith.constant 0.000000e+00 : f32
    %broadcast_in_dim3A_19 = vector.broadcast %broadcast_in_dim3A : f32 to vector<16xf32>
    %scan3A = arith.constant 0 : i32
    %scan3A_20 = arith.constant 64 : i32
    %scan3A_21 = arith.addi %scan3A, %scan3A_20 : i32
    %scan3A_22 = arith.constant 8 : i32
    %scan3A_23:2 = scf.for %scan3A_52 = %scan3A to %scan3A_21 step %scan3A_22 iter_args(%scan3A_53 = %broadcast_in_dim3A_19, %scan3A_54 = %broadcast_in_dim3A_19) -> (vector<16xf32>, vector<16xf32>)  : i32 {
      %mul3A_55 = arith.constant 16 : i32
      %mul3A_56 = arith.muli %scan3A_52, %mul3A_55 : i32
      %add3A_57 = vector.broadcast %mul3A_56 : i32 to vector<16xi32>
      %add3A_58 = arith.addi %iota3A, %add3A_57 : vector<16xi32>
      %mul3A_59 = arith.constant 2 : i32
      %mul3A_60 = vector.broadcast %mul3A_59 : i32 to vector<16xi32>
      %mul3A_61 = arith.muli %add3A_58, %mul3A_60 : vector<16xi32>
      %get3A = arith.index_cast %mul3A_56 : i32 to index
      %get3A_62 = tpu.vector_load %arg9[%get3A] {strides = array<i32>} : memref<1024xi32, #tpu.memory_space<vmem>>, vector<16xi32>,
      %get3A_63 = arith.index_cast %mul3A_56 : i32 to index
      %get3A_64 = tpu.vector_load %arg10[%get3A_63] {strides = array<i32>} : memref<1024xf32, #tpu.memory_space<vmem>>, vector<16xf32>,
      %get3A_65 = arith.index_cast %mul3A_56 : i32 to index
      %get3A_66 = tpu.vector_load %arg11[%get3A_65] {strides = array<i32>} : memref<1024xf32, #tpu.memory_space<vmem>>, vector<16xf32>,
      %add3A_67 = arith.addi %mul3A_61, %get3A_62 : vector<16xi32>
      %gather3A = tpu.vector_load_idx %arg8[%add3A_67] : memref<2048xf32, #tpu.memory_space<vmem>>[vector<16xi32>], vector<16xf32>,
      %xor3A = arith.constant 1 : i32
      %xor3A_68 = vector.broadcast %xor3A : i32 to vector<16xi32>
      %xor3A_69 = arith.xori %add3A_67, %xor3A_68 : vector<16xi32>
      %gather3A_70 = tpu.vector_load_idx %arg8[%xor3A_69] : memref<2048xf32, #tpu.memory_space<vmem>>[vector<16xi32>], vector<16xf32>,
      %sub3A = arith.subf %gather3A_70, %gather3A : vector<16xf32>
      %abs3A = math.absf %sub3A : vector<16xf32>
      %neg3A = arith.constant 0.000000e+00 : f32
      %neg3A_71 = vector.broadcast %neg3A : f32 to vector<16xf32>
      %neg3A_72 = arith.subf %neg3A_71, %abs3A : vector<16xf32>
      %exp3A = math.exp %neg3A_72 : vector<16xf32>
      %add3A_73 = arith.constant 2.000000e+00 : f32
      %add3A_74 = vector.broadcast %add3A_73 : f32 to vector<16xf32>
      %add3A_75 = arith.addf %exp3A, %add3A_74 : vector<16xf32>
      %div3A = arith.divf %exp3A, %add3A_75 : vector<16xf32>
      %mul3A_76 = arith.mulf %div3A, %div3A : vector<16xf32>
      %mul3A_77 = arith.constant 0.142857149 : f32
      %mul3A_78 = vector.broadcast %mul3A_77 : f32 to vector<16xf32>
      %mul3A_79 = arith.mulf %mul3A_78, %mul3A_76 : vector<16xf32>
      %add3A_80 = arith.constant 2.000000e-01 : f32
      %add3A_81 = vector.broadcast %add3A_80 : f32 to vector<16xf32>
      %add3A_82 = arith.addf %mul3A_79, %add3A_81 : vector<16xf32>
      %mul3A_83 = arith.mulf %add3A_82, %mul3A_76 : vector<16xf32>
      %add3A_84 = arith.constant 0.333333343 : f32
      %add3A_85 = vector.broadcast %add3A_84 : f32 to vector<16xf32>
      %add3A_86 = arith.addf %mul3A_83, %add3A_85 : vector<16xf32>
      %mul3A_87 = arith.mulf %add3A_86, %mul3A_76 : vector<16xf32>
      %add3A_88 = arith.constant 1.000000e+00 : f32
      %add3A_89 = vector.broadcast %add3A_88 : f32 to vector<16xf32>
      %add3A_90 = arith.addf %mul3A_87, %add3A_89 : vector<16xf32>
      %max3A = arith.constant 0.000000e+00 : f32
      %max3A_91 = vector.broadcast %max3A : f32 to vector<16xf32>
      %max3A_92 = arith.maximumf %sub3A, %max3A_91 : vector<16xf32>
      %mul3A_93 = arith.constant 2.000000e+00 : f32
      %mul3A_94 = vector.broadcast %mul3A_93 : f32 to vector<16xf32>
      %mul3A_95 = arith.mulf %mul3A_94, %div3A : vector<16xf32>
      %mul3A_96 = arith.mulf %mul3A_95, %add3A_90 : vector<16xf32>
      %add3A_97 = arith.addf %max3A_92, %mul3A_96 : vector<16xf32>
      %add3A_98 = arith.addf %scan3A_53, %add3A_97 : vector<16xf32>
      %sub3A_99 = arith.subf %get3A_64, %get3A_66 : vector<16xf32>
      %gt3A = arith.constant 0 : i32
      %gt3A_100 = vector.broadcast %gt3A : i32 to vector<16xi32>
      %gt3A_101 = arith.cmpi sgt, %get3A_62, %gt3A_100 : vector<16xi32>
      %add3A_102 = arith.constant 1.000000e+00 : f32
      %add3A_103 = vector.broadcast %add3A_102 : f32 to vector<16xf32>
      %add3A_104 = arith.addf %sub3A_99, %add3A_103 : vector<16xf32>
      %sub3A_105 = arith.constant 1.000000e+00 : f32
      %sub3A_106 = vector.broadcast %sub3A_105 : f32 to vector<16xf32>
      %sub3A_107 = arith.subf %sub3A_99, %sub3A_106 : vector<16xf32>
      %min3A = arith.constant 0.000000e+00 : f32
      %min3A_108 = vector.broadcast %min3A : f32 to vector<16xf32>
      %min3A_109 = arith.minimumf %min3A_108, %sub3A_107 : vector<16xf32>
      %select_n3A = arith.select %gt3A_101, %add3A_104, %min3A_109 : vector<16xi1>, vector<16xf32>
      %lt3A = arith.constant -1.000000e+00 : f32
      %lt3A_110 = vector.broadcast %lt3A : f32 to vector<16xf32>
      %lt3A_111 = arith.cmpf olt, %get3A_66, %lt3A_110 : vector<16xf32>
      %and3A = arith.andi %gt3A_101, %lt3A_111 : vector<16xi1>
      %add3A_112 = arith.constant 1.000000e+00 : f32
      %add3A_113 = vector.broadcast %add3A_112 : f32 to vector<16xf32>
      %add3A_114 = arith.addf %get3A_64, %add3A_113 : vector<16xf32>
      %max3A_115 = arith.constant 0.000000e+00 : f32
      %max3A_116 = vector.broadcast %max3A_115 : f32 to vector<16xf32>
      %max3A_117 = arith.maximumf %max3A_116, %add3A_114 : vector<16xf32>
      %select_n3A_118 = arith.select %and3A, %max3A_117, %select_n3A : vector<16xi1>, vector<16xf32>
      %mul3A_119 = arith.mulf %select_n3A_118, %select_n3A_118 : vector<16xf32>
      %add3A_120 = arith.addf %scan3A_54, %mul3A_119 : vector<16xf32>
      %scan3A_121 = arith.constant 1 : i32
      %scan3A_122 = arith.addi %scan3A_52, %scan3A_121 : i32
      %mul3A_123 = arith.constant 16 : i32
      %mul3A_124 = arith.muli %scan3A_122, %mul3A_123 : i32
      %add3A_125 = vector.broadcast %mul3A_124 : i32 to vector<16xi32>
      %add3A_126 = arith.addi %iota3A, %add3A_125 : vector<16xi32>
      %mul3A_127 = arith.constant 2 : i32
      %mul3A_128 = vector.broadcast %mul3A_127 : i32 to vector<16xi32>
      %mul3A_129 = arith.muli %add3A_126, %mul3A_128 : vector<16xi32>
      %get3A_130 = arith.index_cast %mul3A_124 : i32 to index
      %get3A_131 = tpu.vector_load %arg9[%get3A_130] {strides = array<i32>} : memref<1024xi32, #tpu.memory_space<vmem>>, vector<16xi32>,
      %get3A_132 = arith.index_cast %mul3A_124 : i32 to index
      %get3A_133 = tpu.vector_load %arg10[%get3A_132] {strides = array<i32>} : memref<1024xf32, #tpu.memory_space<vmem>>, vector<16xf32>,
      %get3A_134 = arith.index_cast %mul3A_124 : i32 to index
      %get3A_135 = tpu.vector_load %arg11[%get3A_134] {strides = array<i32>} : memref<1024xf32, #tpu.memory_space<vmem>>, vector<16xf32>,
      %add3A_136 = arith.addi %mul3A_129, %get3A_131 : vector<16xi32>
      %gather3A_137 = tpu.vector_load_idx %arg8[%add3A_136] : memref<2048xf32, #tpu.memory_space<vmem>>[vector<16xi32>], vector<16xf32>,
      %xor3A_138 = arith.constant 1 : i32
      %xor3A_139 = vector.broadcast %xor3A_138 : i32 to vector<16xi32>
      %xor3A_140 = arith.xori %add3A_136, %xor3A_139 : vector<16xi32>
      %gather3A_141 = tpu.vector_load_idx %arg8[%xor3A_140] : memref<2048xf32, #tpu.memory_space<vmem>>[vector<16xi32>], vector<16xf32>,
      %sub3A_142 = arith.subf %gather3A_141, %gather3A_137 : vector<16xf32>
      %abs3A_143 = math.absf %sub3A_142 : vector<16xf32>
      %neg3A_144 = arith.constant 0.000000e+00 : f32
      %neg3A_145 = vector.broadcast %neg3A_144 : f32 to vector<16xf32>
      %neg3A_146 = arith.subf %neg3A_145, %abs3A_143 : vector<16xf32>
      %exp3A_147 = math.exp %neg3A_146 : vector<16xf32>
      %add3A_148 = arith.constant 2.000000e+00 : f32
      %add3A_149 = vector.broadcast %add3A_148 : f32 to vector<16xf32>
      %add3A_150 = arith.addf %exp3A_147, %add3A_149 : vector<16xf32>
      %div3A_151 = arith.divf %exp3A_147, %add3A_150 : vector<16xf32>
      %mul3A_152 = arith.mulf %div3A_151, %div3A_151 : vector<16xf32>
      %mul3A_153 = arith.constant 0.142857149 : f32
      %mul3A_154 = vector.broadcast %mul3A_153 : f32 to vector<16xf32>
      %mul3A_155 = arith.mulf %mul3A_154, %mul3A_152 : vector<16xf32>
      %add3A_156 = arith.constant 2.000000e-01 : f32
      %add3A_157 = vector.broadcast %add3A_156 : f32 to vector<16xf32>
      %add3A_158 = arith.addf %mul3A_155, %add3A_157 : vector<16xf32>
      %mul3A_159 = arith.mulf %add3A_158, %mul3A_152 : vector<16xf32>
      %add3A_160 = arith.constant 0.333333343 : f32
      %add3A_161 = vector.broadcast %add3A_160 : f32 to vector<16xf32>
      %add3A_162 = arith.addf %mul3A_159, %add3A_161 : vector<16xf32>
      %mul3A_163 = arith.mulf %add3A_162, %mul3A_152 : vector<16xf32>
      %add3A_164 = arith.constant 1.000000e+00 : f32
      %add3A_165 = vector.broadcast %add3A_164 : f32 to vector<16xf32>
      %add3A_166 = arith.addf %mul3A_163, %add3A_165 : vector<16xf32>
      %max3A_167 = arith.constant 0.000000e+00 : f32
      %max3A_168 = vector.broadcast %max3A_167 : f32 to vector<16xf32>
      %max3A_169 = arith.maximumf %sub3A_142, %max3A_168 : vector<16xf32>
      %mul3A_170 = arith.constant 2.000000e+00 : f32
      %mul3A_171 = vector.broadcast %mul3A_170 : f32 to vector<16xf32>
      %mul3A_172 = arith.mulf %mul3A_171, %div3A_151 : vector<16xf32>
      %mul3A_173 = arith.mulf %mul3A_172, %add3A_166 : vector<16xf32>
      %add3A_174 = arith.addf %max3A_169, %mul3A_173 : vector<16xf32>
      %add3A_175 = arith.addf %add3A_98, %add3A_174 : vector<16xf32>
      %sub3A_176 = arith.subf %get3A_133, %get3A_135 : vector<16xf32>
      %gt3A_177 = arith.constant 0 : i32
      %gt3A_178 = vector.broadcast %gt3A_177 : i32 to vector<16xi32>
      %gt3A_179 = arith.cmpi sgt, %get3A_131, %gt3A_178 : vector<16xi32>
      %add3A_180 = arith.constant 1.000000e+00 : f32
      %add3A_181 = vector.broadcast %add3A_180 : f32 to vector<16xf32>
      %add3A_182 = arith.addf %sub3A_176, %add3A_181 : vector<16xf32>
      %sub3A_183 = arith.constant 1.000000e+00 : f32
      %sub3A_184 = vector.broadcast %sub3A_183 : f32 to vector<16xf32>
      %sub3A_185 = arith.subf %sub3A_176, %sub3A_184 : vector<16xf32>
      %min3A_186 = arith.constant 0.000000e+00 : f32
      %min3A_187 = vector.broadcast %min3A_186 : f32 to vector<16xf32>
      %min3A_188 = arith.minimumf %min3A_187, %sub3A_185 : vector<16xf32>
      %select_n3A_189 = arith.select %gt3A_179, %add3A_182, %min3A_188 : vector<16xi1>, vector<16xf32>
      %lt3A_190 = arith.constant -1.000000e+00 : f32
      %lt3A_191 = vector.broadcast %lt3A_190 : f32 to vector<16xf32>
      %lt3A_192 = arith.cmpf olt, %get3A_135, %lt3A_191 : vector<16xf32>
      %and3A_193 = arith.andi %gt3A_179, %lt3A_192 : vector<16xi1>
      %add3A_194 = arith.constant 1.000000e+00 : f32
      %add3A_195 = vector.broadcast %add3A_194 : f32 to vector<16xf32>
      %add3A_196 = arith.addf %get3A_133, %add3A_195 : vector<16xf32>
      %max3A_197 = arith.constant 0.000000e+00 : f32
      %max3A_198 = vector.broadcast %max3A_197 : f32 to vector<16xf32>
      %max3A_199 = arith.maximumf %max3A_198, %add3A_196 : vector<16xf32>
      %select_n3A_200 = arith.select %and3A_193, %max3A_199, %select_n3A_189 : vector<16xi1>, vector<16xf32>
      %mul3A_201 = arith.mulf %select_n3A_200, %select_n3A_200 : vector<16xf32>
      %add3A_202 = arith.addf %add3A_120, %mul3A_201 : vector<16xf32>
      %scan3A_203 = arith.constant 2 : i32
      %scan3A_204 = arith.addi %scan3A_52, %scan3A_203 : i32
      %mul3A_205 = arith.constant 16 : i32
      %mul3A_206 = arith.muli %scan3A_204, %mul3A_205 : i32
      %add3A_207 = vector.broadcast %mul3A_206 : i32 to vector<16xi32>
      %add3A_208 = arith.addi %iota3A, %add3A_207 : vector<16xi32>
      %mul3A_209 = arith.constant 2 : i32
      %mul3A_210 = vector.broadcast %mul3A_209 : i32 to vector<16xi32>
      %mul3A_211 = arith.muli %add3A_208, %mul3A_210 : vector<16xi32>
      %get3A_212 = arith.index_cast %mul3A_206 : i32 to index
      %get3A_213 = tpu.vector_load %arg9[%get3A_212] {strides = array<i32>} : memref<1024xi32, #tpu.memory_space<vmem>>, vector<16xi32>,
      %get3A_214 = arith.index_cast %mul3A_206 : i32 to index
      %get3A_215 = tpu.vector_load %arg10[%get3A_214] {strides = array<i32>} : memref<1024xf32, #tpu.memory_space<vmem>>, vector<16xf32>,
      %get3A_216 = arith.index_cast %mul3A_206 : i32 to index
      %get3A_217 = tpu.vector_load %arg11[%get3A_216] {strides = array<i32>} : memref<1024xf32, #tpu.memory_space<vmem>>, vector<16xf32>,
      %add3A_218 = arith.addi %mul3A_211, %get3A_213 : vector<16xi32>
      %gather3A_219 = tpu.vector_load_idx %arg8[%add3A_218] : memref<2048xf32, #tpu.memory_space<vmem>>[vector<16xi32>], vector<16xf32>,
      %xor3A_220 = arith.constant 1 : i32
      %xor3A_221 = vector.broadcast %xor3A_220 : i32 to vector<16xi32>
      %xor3A_222 = arith.xori %add3A_218, %xor3A_221 : vector<16xi32>
      %gather3A_223 = tpu.vector_load_idx %arg8[%xor3A_222] : memref<2048xf32, #tpu.memory_space<vmem>>[vector<16xi32>], vector<16xf32>,
      %sub3A_224 = arith.subf %gather3A_223, %gather3A_219 : vector<16xf32>
      %abs3A_225 = math.absf %sub3A_224 : vector<16xf32>
      %neg3A_226 = arith.constant 0.000000e+00 : f32
      %neg3A_227 = vector.broadcast %neg3A_226 : f32 to vector<16xf32>
      %neg3A_228 = arith.subf %neg3A_227, %abs3A_225 : vector<16xf32>
      %exp3A_229 = math.exp %neg3A_228 : vector<16xf32>
      %add3A_230 = arith.constant 2.000000e+00 : f32
      %add3A_231 = vector.broadcast %add3A_230 : f32 to vector<16xf32>
      %add3A_232 = arith.addf %exp3A_229, %add3A_231 : vector<16xf32>
      %div3A_233 = arith.divf %exp3A_229, %add3A_232 : vector<16xf32>
      %mul3A_234 = arith.mulf %div3A_233, %div3A_233 : vector<16xf32>
      %mul3A_235 = arith.constant 0.142857149 : f32
      %mul3A_236 = vector.broadcast %mul3A_235 : f32 to vector<16xf32>
      %mul3A_237 = arith.mulf %mul3A_236, %mul3A_234 : vector<16xf32>
      %add3A_238 = arith.constant 2.000000e-01 : f32
      %add3A_239 = vector.broadcast %add3A_238 : f32 to vector<16xf32>
      %add3A_240 = arith.addf %mul3A_237, %add3A_239 : vector<16xf32>
      %mul3A_241 = arith.mulf %add3A_240, %mul3A_234 : vector<16xf32>
      %add3A_242 = arith.constant 0.333333343 : f32
      %add3A_243 = vector.broadcast %add3A_242 : f32 to vector<16xf32>
      %add3A_244 = arith.addf %mul3A_241, %add3A_243 : vector<16xf32>
      %mul3A_245 = arith.mulf %add3A_244, %mul3A_234 : vector<16xf32>
      %add3A_246 = arith.constant 1.000000e+00 : f32
      %add3A_247 = vector.broadcast %add3A_246 : f32 to vector<16xf32>
      %add3A_248 = arith.addf %mul3A_245, %add3A_247 : vector<16xf32>
      %max3A_249 = arith.constant 0.000000e+00 : f32
      %max3A_250 = vector.broadcast %max3A_249 : f32 to vector<16xf32>
      %max3A_251 = arith.maximumf %sub3A_224, %max3A_250 : vector<16xf32>
      %mul3A_252 = arith.constant 2.000000e+00 : f32
      %mul3A_253 = vector.broadcast %mul3A_252 : f32 to vector<16xf32>
      %mul3A_254 = arith.mulf %mul3A_253, %div3A_233 : vector<16xf32>
      %mul3A_255 = arith.mulf %mul3A_254, %add3A_248 : vector<16xf32>
      %add3A_256 = arith.addf %max3A_251, %mul3A_255 : vector<16xf32>
      %add3A_257 = arith.addf %add3A_175, %add3A_256 : vector<16xf32>
      %sub3A_258 = arith.subf %get3A_215, %get3A_217 : vector<16xf32>
      %gt3A_259 = arith.constant 0 : i32
      %gt3A_260 = vector.broadcast %gt3A_259 : i32 to vector<16xi32>
      %gt3A_261 = arith.cmpi sgt, %get3A_213, %gt3A_260 : vector<16xi32>
      %add3A_262 = arith.constant 1.000000e+00 : f32
      %add3A_263 = vector.broadcast %add3A_262 : f32 to vector<16xf32>
      %add3A_264 = arith.addf %sub3A_258, %add3A_263 : vector<16xf32>
      %sub3A_265 = arith.constant 1.000000e+00 : f32
      %sub3A_266 = vector.broadcast %sub3A_265 : f32 to vector<16xf32>
      %sub3A_267 = arith.subf %sub3A_258, %sub3A_266 : vector<16xf32>
      %min3A_268 = arith.constant 0.000000e+00 : f32
      %min3A_269 = vector.broadcast %min3A_268 : f32 to vector<16xf32>
      %min3A_270 = arith.minimumf %min3A_269, %sub3A_267 : vector<16xf32>
      %select_n3A_271 = arith.select %gt3A_261, %add3A_264, %min3A_270 : vector<16xi1>, vector<16xf32>
      %lt3A_272 = arith.constant -1.000000e+00 : f32
      %lt3A_273 = vector.broadcast %lt3A_272 : f32 to vector<16xf32>
      %lt3A_274 = arith.cmpf olt, %get3A_217, %lt3A_273 : vector<16xf32>
      %and3A_275 = arith.andi %gt3A_261, %lt3A_274 : vector<16xi1>
      %add3A_276 = arith.constant 1.000000e+00 : f32
      %add3A_277 = vector.broadcast %add3A_276 : f32 to vector<16xf32>
      %add3A_278 = arith.addf %get3A_215, %add3A_277 : vector<16xf32>
      %max3A_279 = arith.constant 0.000000e+00 : f32
      %max3A_280 = vector.broadcast %max3A_279 : f32 to vector<16xf32>
      %max3A_281 = arith.maximumf %max3A_280, %add3A_278 : vector<16xf32>
      %select_n3A_282 = arith.select %and3A_275, %max3A_281, %select_n3A_271 : vector<16xi1>, vector<16xf32>
      %mul3A_283 = arith.mulf %select_n3A_282, %select_n3A_282 : vector<16xf32>
      %add3A_284 = arith.addf %add3A_202, %mul3A_283 : vector<16xf32>
      %scan3A_285 = arith.constant 3 : i32
      %scan3A_286 = arith.addi %scan3A_52, %scan3A_285 : i32
      %mul3A_287 = arith.constant 16 : i32
      %mul3A_288 = arith.muli %scan3A_286, %mul3A_287 : i32
      %add3A_289 = vector.broadcast %mul3A_288 : i32 to vector<16xi32>
      %add3A_290 = arith.addi %iota3A, %add3A_289 : vector<16xi32>
      %mul3A_291 = arith.constant 2 : i32
      %mul3A_292 = vector.broadcast %mul3A_291 : i32 to vector<16xi32>
      %mul3A_293 = arith.muli %add3A_290, %mul3A_292 : vector<16xi32>
      %get3A_294 = arith.index_cast %mul3A_288 : i32 to index
      %get3A_295 = tpu.vector_load %arg9[%get3A_294] {strides = array<i32>} : memref<1024xi32, #tpu.memory_space<vmem>>, vector<16xi32>,
      %get3A_296 = arith.index_cast %mul3A_288 : i32 to index
      %get3A_297 = tpu.vector_load %arg10[%get3A_296] {strides = array<i32>} : memref<1024xf32, #tpu.memory_space<vmem>>, vector<16xf32>,
      %get3A_298 = arith.index_cast %mul3A_288 : i32 to index
      %get3A_299 = tpu.vector_load %arg11[%get3A_298] {strides = array<i32>} : memref<1024xf32, #tpu.memory_space<vmem>>, vector<16xf32>,
      %add3A_300 = arith.addi %mul3A_293, %get3A_295 : vector<16xi32>
      %gather3A_301 = tpu.vector_load_idx %arg8[%add3A_300] : memref<2048xf32, #tpu.memory_space<vmem>>[vector<16xi32>], vector<16xf32>,
      %xor3A_302 = arith.constant 1 : i32
      %xor3A_303 = vector.broadcast %xor3A_302 : i32 to vector<16xi32>
      %xor3A_304 = arith.xori %add3A_300, %xor3A_303 : vector<16xi32>
      %gather3A_305 = tpu.vector_load_idx %arg8[%xor3A_304] : memref<2048xf32, #tpu.memory_space<vmem>>[vector<16xi32>], vector<16xf32>,
      %sub3A_306 = arith.subf %gather3A_305, %gather3A_301 : vector<16xf32>
      %abs3A_307 = math.absf %sub3A_306 : vector<16xf32>
      %neg3A_308 = arith.constant 0.000000e+00 : f32
      %neg3A_309 = vector.broadcast %neg3A_308 : f32 to vector<16xf32>
      %neg3A_310 = arith.subf %neg3A_309, %abs3A_307 : vector<16xf32>
      %exp3A_311 = math.exp %neg3A_310 : vector<16xf32>
      %add3A_312 = arith.constant 2.000000e+00 : f32
      %add3A_313 = vector.broadcast %add3A_312 : f32 to vector<16xf32>
      %add3A_314 = arith.addf %exp3A_311, %add3A_313 : vector<16xf32>
      %div3A_315 = arith.divf %exp3A_311, %add3A_314 : vector<16xf32>
      %mul3A_316 = arith.mulf %div3A_315, %div3A_315 : vector<16xf32>
      %mul3A_317 = arith.constant 0.142857149 : f32
      %mul3A_318 = vector.broadcast %mul3A_317 : f32 to vector<16xf32>
      %mul3A_319 = arith.mulf %mul3A_318, %mul3A_316 : vector<16xf32>
      %add3A_320 = arith.constant 2.000000e-01 : f32
      %add3A_321 = vector.broadcast %add3A_320 : f32 to vector<16xf32>
      %add3A_322 = arith.addf %mul3A_319, %add3A_321 : vector<16xf32>
      %mul3A_323 = arith.mulf %add3A_322, %mul3A_316 : vector<16xf32>
      %add3A_324 = arith.constant 0.333333343 : f32
      %add3A_325 = vector.broadcast %add3A_324 : f32 to vector<16xf32>
      %add3A_326 = arith.addf %mul3A_323, %add3A_325 : vector<16xf32>
      %mul3A_327 = arith.mulf %add3A_326, %mul3A_316 : vector<16xf32>
      %add3A_328 = arith.constant 1.000000e+00 : f32
      %add3A_329 = vector.broadcast %add3A_328 : f32 to vector<16xf32>
      %add3A_330 = arith.addf %mul3A_327, %add3A_329 : vector<16xf32>
      %max3A_331 = arith.constant 0.000000e+00 : f32
      %max3A_332 = vector.broadcast %max3A_331 : f32 to vector<16xf32>
      %max3A_333 = arith.maximumf %sub3A_306, %max3A_332 : vector<16xf32>
      %mul3A_334 = arith.constant 2.000000e+00 : f32
      %mul3A_335 = vector.broadcast %mul3A_334 : f32 to vector<16xf32>
      %mul3A_336 = arith.mulf %mul3A_335, %div3A_315 : vector<16xf32>
      %mul3A_337 = arith.mulf %mul3A_336, %add3A_330 : vector<16xf32>
      %add3A_338 = arith.addf %max3A_333, %mul3A_337 : vector<16xf32>
      %add3A_339 = arith.addf %add3A_257, %add3A_338 : vector<16xf32>
      %sub3A_340 = arith.subf %get3A_297, %get3A_299 : vector<16xf32>
      %gt3A_341 = arith.constant 0 : i32
      %gt3A_342 = vector.broadcast %gt3A_341 : i32 to vector<16xi32>
      %gt3A_343 = arith.cmpi sgt, %get3A_295, %gt3A_342 : vector<16xi32>
      %add3A_344 = arith.constant 1.000000e+00 : f32
      %add3A_345 = vector.broadcast %add3A_344 : f32 to vector<16xf32>
      %add3A_346 = arith.addf %sub3A_340, %add3A_345 : vector<16xf32>
      %sub3A_347 = arith.constant 1.000000e+00 : f32
      %sub3A_348 = vector.broadcast %sub3A_347 : f32 to vector<16xf32>
      %sub3A_349 = arith.subf %sub3A_340, %sub3A_348 : vector<16xf32>
      %min3A_350 = arith.constant 0.000000e+00 : f32
      %min3A_351 = vector.broadcast %min3A_350 : f32 to vector<16xf32>
      %min3A_352 = arith.minimumf %min3A_351, %sub3A_349 : vector<16xf32>
      %select_n3A_353 = arith.select %gt3A_343, %add3A_346, %min3A_352 : vector<16xi1>, vector<16xf32>
      %lt3A_354 = arith.constant -1.000000e+00 : f32
      %lt3A_355 = vector.broadcast %lt3A_354 : f32 to vector<16xf32>
      %lt3A_356 = arith.cmpf olt, %get3A_299, %lt3A_355 : vector<16xf32>
      %and3A_357 = arith.andi %gt3A_343, %lt3A_356 : vector<16xi1>
      %add3A_358 = arith.constant 1.000000e+00 : f32
      %add3A_359 = vector.broadcast %add3A_358 : f32 to vector<16xf32>
      %add3A_360 = arith.addf %get3A_297, %add3A_359 : vector<16xf32>
      %max3A_361 = arith.constant 0.000000e+00 : f32
      %max3A_362 = vector.broadcast %max3A_361 : f32 to vector<16xf32>
      %max3A_363 = arith.maximumf %max3A_362, %add3A_360 : vector<16xf32>
      %select_n3A_364 = arith.select %and3A_357, %max3A_363, %select_n3A_353 : vector<16xi1>, vector<16xf32>
      %mul3A_365 = arith.mulf %select_n3A_364, %select_n3A_364 : vector<16xf32>
      %add3A_366 = arith.addf %add3A_284, %mul3A_365 : vector<16xf32>
      %scan3A_367 = arith.constant 4 : i32
      %scan3A_368 = arith.addi %scan3A_52, %scan3A_367 : i32
      %mul3A_369 = arith.constant 16 : i32
      %mul3A_370 = arith.muli %scan3A_368, %mul3A_369 : i32
      %add3A_371 = vector.broadcast %mul3A_370 : i32 to vector<16xi32>
      %add3A_372 = arith.addi %iota3A, %add3A_371 : vector<16xi32>
      %mul3A_373 = arith.constant 2 : i32
      %mul3A_374 = vector.broadcast %mul3A_373 : i32 to vector<16xi32>
      %mul3A_375 = arith.muli %add3A_372, %mul3A_374 : vector<16xi32>
      %get3A_376 = arith.index_cast %mul3A_370 : i32 to index
      %get3A_377 = tpu.vector_load %arg9[%get3A_376] {strides = array<i32>} : memref<1024xi32, #tpu.memory_space<vmem>>, vector<16xi32>,
      %get3A_378 = arith.index_cast %mul3A_370 : i32 to index
      %get3A_379 = tpu.vector_load %arg10[%get3A_378] {strides = array<i32>} : memref<1024xf32, #tpu.memory_space<vmem>>, vector<16xf32>,
      %get3A_380 = arith.index_cast %mul3A_370 : i32 to index
      %get3A_381 = tpu.vector_load %arg11[%get3A_380] {strides = array<i32>} : memref<1024xf32, #tpu.memory_space<vmem>>, vector<16xf32>,
      %add3A_382 = arith.addi %mul3A_375, %get3A_377 : vector<16xi32>
      %gather3A_383 = tpu.vector_load_idx %arg8[%add3A_382] : memref<2048xf32, #tpu.memory_space<vmem>>[vector<16xi32>], vector<16xf32>,
      %xor3A_384 = arith.constant 1 : i32
      %xor3A_385 = vector.broadcast %xor3A_384 : i32 to vector<16xi32>
      %xor3A_386 = arith.xori %add3A_382, %xor3A_385 : vector<16xi32>
      %gather3A_387 = tpu.vector_load_idx %arg8[%xor3A_386] : memref<2048xf32, #tpu.memory_space<vmem>>[vector<16xi32>], vector<16xf32>,
      %sub3A_388 = arith.subf %gather3A_387, %gather3A_383 : vector<16xf32>
      %abs3A_389 = math.absf %sub3A_388 : vector<16xf32>
      %neg3A_390 = arith.constant 0.000000e+00 : f32
      %neg3A_391 = vector.broadcast %neg3A_390 : f32 to vector<16xf32>
      %neg3A_392 = arith.subf %neg3A_391, %abs3A_389 : vector<16xf32>
      %exp3A_393 = math.exp %neg3A_392 : vector<16xf32>
      %add3A_394 = arith.constant 2.000000e+00 : f32
      %add3A_395 = vector.broadcast %add3A_394 : f32 to vector<16xf32>
      %add3A_396 = arith.addf %exp3A_393, %add3A_395 : vector<16xf32>
      %div3A_397 = arith.divf %exp3A_393, %add3A_396 : vector<16xf32>
      %mul3A_398 = arith.mulf %div3A_397, %div3A_397 : vector<16xf32>
      %mul3A_399 = arith.constant 0.142857149 : f32
      %mul3A_400 = vector.broadcast %mul3A_399 : f32 to vector<16xf32>
      %mul3A_401 = arith.mulf %mul3A_400, %mul3A_398 : vector<16xf32>
      %add3A_402 = arith.constant 2.000000e-01 : f32
      %add3A_403 = vector.broadcast %add3A_402 : f32 to vector<16xf32>
      %add3A_404 = arith.addf %mul3A_401, %add3A_403 : vector<16xf32>
      %mul3A_405 = arith.mulf %add3A_404, %mul3A_398 : vector<16xf32>
      %add3A_406 = arith.constant 0.333333343 : f32
      %add3A_407 = vector.broadcast %add3A_406 : f32 to vector<16xf32>
      %add3A_408 = arith.addf %mul3A_405, %add3A_407 : vector<16xf32>
      %mul3A_409 = arith.mulf %add3A_408, %mul3A_398 : vector<16xf32>
      %add3A_410 = arith.constant 1.000000e+00 : f32
      %add3A_411 = vector.broadcast %add3A_410 : f32 to vector<16xf32>
      %add3A_412 = arith.addf %mul3A_409, %add3A_411 : vector<16xf32>
      %max3A_413 = arith.constant 0.000000e+00 : f32
      %max3A_414 = vector.broadcast %max3A_413 : f32 to vector<16xf32>
      %max3A_415 = arith.maximumf %sub3A_388, %max3A_414 : vector<16xf32>
      %mul3A_416 = arith.constant 2.000000e+00 : f32
      %mul3A_417 = vector.broadcast %mul3A_416 : f32 to vector<16xf32>
      %mul3A_418 = arith.mulf %mul3A_417, %div3A_397 : vector<16xf32>
      %mul3A_419 = arith.mulf %mul3A_418, %add3A_412 : vector<16xf32>
      %add3A_420 = arith.addf %max3A_415, %mul3A_419 : vector<16xf32>
      %add3A_421 = arith.addf %add3A_339, %add3A_420 : vector<16xf32>
      %sub3A_422 = arith.subf %get3A_379, %get3A_381 : vector<16xf32>
      %gt3A_423 = arith.constant 0 : i32
      %gt3A_424 = vector.broadcast %gt3A_423 : i32 to vector<16xi32>
      %gt3A_425 = arith.cmpi sgt, %get3A_377, %gt3A_424 : vector<16xi32>
      %add3A_426 = arith.constant 1.000000e+00 : f32
      %add3A_427 = vector.broadcast %add3A_426 : f32 to vector<16xf32>
      %add3A_428 = arith.addf %sub3A_422, %add3A_427 : vector<16xf32>
      %sub3A_429 = arith.constant 1.000000e+00 : f32
      %sub3A_430 = vector.broadcast %sub3A_429 : f32 to vector<16xf32>
      %sub3A_431 = arith.subf %sub3A_422, %sub3A_430 : vector<16xf32>
      %min3A_432 = arith.constant 0.000000e+00 : f32
      %min3A_433 = vector.broadcast %min3A_432 : f32 to vector<16xf32>
      %min3A_434 = arith.minimumf %min3A_433, %sub3A_431 : vector<16xf32>
      %select_n3A_435 = arith.select %gt3A_425, %add3A_428, %min3A_434 : vector<16xi1>, vector<16xf32>
      %lt3A_436 = arith.constant -1.000000e+00 : f32
      %lt3A_437 = vector.broadcast %lt3A_436 : f32 to vector<16xf32>
      %lt3A_438 = arith.cmpf olt, %get3A_381, %lt3A_437 : vector<16xf32>
      %and3A_439 = arith.andi %gt3A_425, %lt3A_438 : vector<16xi1>
      %add3A_440 = arith.constant 1.000000e+00 : f32
      %add3A_441 = vector.broadcast %add3A_440 : f32 to vector<16xf32>
      %add3A_442 = arith.addf %get3A_379, %add3A_441 : vector<16xf32>
      %max3A_443 = arith.constant 0.000000e+00 : f32
      %max3A_444 = vector.broadcast %max3A_443 : f32 to vector<16xf32>
      %max3A_445 = arith.maximumf %max3A_444, %add3A_442 : vector<16xf32>
      %select_n3A_446 = arith.select %and3A_439, %max3A_445, %select_n3A_435 : vector<16xi1>, vector<16xf32>
      %mul3A_447 = arith.mulf %select_n3A_446, %select_n3A_446 : vector<16xf32>
      %add3A_448 = arith.addf %add3A_366, %mul3A_447 : vector<16xf32>
      %scan3A_449 = arith.constant 5 : i32
      %scan3A_450 = arith.addi %scan3A_52, %scan3A_449 : i32
      %mul3A_451 = arith.constant 16 : i32
      %mul3A_452 = arith.muli %scan3A_450, %mul3A_451 : i32
      %add3A_453 = vector.broadcast %mul3A_452 : i32 to vector<16xi32>
      %add3A_454 = arith.addi %iota3A, %add3A_453 : vector<16xi32>
      %mul3A_455 = arith.constant 2 : i32
      %mul3A_456 = vector.broadcast %mul3A_455 : i32 to vector<16xi32>
      %mul3A_457 = arith.muli %add3A_454, %mul3A_456 : vector<16xi32>
      %get3A_458 = arith.index_cast %mul3A_452 : i32 to index
      %get3A_459 = tpu.vector_load %arg9[%get3A_458] {strides = array<i32>} : memref<1024xi32, #tpu.memory_space<vmem>>, vector<16xi32>,
      %get3A_460 = arith.index_cast %mul3A_452 : i32 to index
      %get3A_461 = tpu.vector_load %arg10[%get3A_460] {strides = array<i32>} : memref<1024xf32, #tpu.memory_space<vmem>>, vector<16xf32>,
      %get3A_462 = arith.index_cast %mul3A_452 : i32 to index
      %get3A_463 = tpu.vector_load %arg11[%get3A_462] {strides = array<i32>} : memref<1024xf32, #tpu.memory_space<vmem>>, vector<16xf32>,
      %add3A_464 = arith.addi %mul3A_457, %get3A_459 : vector<16xi32>
      %gather3A_465 = tpu.vector_load_idx %arg8[%add3A_464] : memref<2048xf32, #tpu.memory_space<vmem>>[vector<16xi32>], vector<16xf32>,
      %xor3A_466 = arith.constant 1 : i32
      %xor3A_467 = vector.broadcast %xor3A_466 : i32 to vector<16xi32>
      %xor3A_468 = arith.xori %add3A_464, %xor3A_467 : vector<16xi32>
      %gather3A_469 = tpu.vector_load_idx %arg8[%xor3A_468] : memref<2048xf32, #tpu.memory_space<vmem>>[vector<16xi32>], vector<16xf32>,
      %sub3A_470 = arith.subf %gather3A_469, %gather3A_465 : vector<16xf32>
      %abs3A_471 = math.absf %sub3A_470 : vector<16xf32>
      %neg3A_472 = arith.constant 0.000000e+00 : f32
      %neg3A_473 = vector.broadcast %neg3A_472 : f32 to vector<16xf32>
      %neg3A_474 = arith.subf %neg3A_473, %abs3A_471 : vector<16xf32>
      %exp3A_475 = math.exp %neg3A_474 : vector<16xf32>
      %add3A_476 = arith.constant 2.000000e+00 : f32
      %add3A_477 = vector.broadcast %add3A_476 : f32 to vector<16xf32>
      %add3A_478 = arith.addf %exp3A_475, %add3A_477 : vector<16xf32>
      %div3A_479 = arith.divf %exp3A_475, %add3A_478 : vector<16xf32>
      %mul3A_480 = arith.mulf %div3A_479, %div3A_479 : vector<16xf32>
      %mul3A_481 = arith.constant 0.142857149 : f32
      %mul3A_482 = vector.broadcast %mul3A_481 : f32 to vector<16xf32>
      %mul3A_483 = arith.mulf %mul3A_482, %mul3A_480 : vector<16xf32>
      %add3A_484 = arith.constant 2.000000e-01 : f32
      %add3A_485 = vector.broadcast %add3A_484 : f32 to vector<16xf32>
      %add3A_486 = arith.addf %mul3A_483, %add3A_485 : vector<16xf32>
      %mul3A_487 = arith.mulf %add3A_486, %mul3A_480 : vector<16xf32>
      %add3A_488 = arith.constant 0.333333343 : f32
      %add3A_489 = vector.broadcast %add3A_488 : f32 to vector<16xf32>
      %add3A_490 = arith.addf %mul3A_487, %add3A_489 : vector<16xf32>
      %mul3A_491 = arith.mulf %add3A_490, %mul3A_480 : vector<16xf32>
      %add3A_492 = arith.constant 1.000000e+00 : f32
      %add3A_493 = vector.broadcast %add3A_492 : f32 to vector<16xf32>
      %add3A_494 = arith.addf %mul3A_491, %add3A_493 : vector<16xf32>
      %max3A_495 = arith.constant 0.000000e+00 : f32
      %max3A_496 = vector.broadcast %max3A_495 : f32 to vector<16xf32>
      %max3A_497 = arith.maximumf %sub3A_470, %max3A_496 : vector<16xf32>
      %mul3A_498 = arith.constant 2.000000e+00 : f32
      %mul3A_499 = vector.broadcast %mul3A_498 : f32 to vector<16xf32>
      %mul3A_500 = arith.mulf %mul3A_499, %div3A_479 : vector<16xf32>
      %mul3A_501 = arith.mulf %mul3A_500, %add3A_494 : vector<16xf32>
      %add3A_502 = arith.addf %max3A_497, %mul3A_501 : vector<16xf32>
      %add3A_503 = arith.addf %add3A_421, %add3A_502 : vector<16xf32>
      %sub3A_504 = arith.subf %get3A_461, %get3A_463 : vector<16xf32>
      %gt3A_505 = arith.constant 0 : i32
      %gt3A_506 = vector.broadcast %gt3A_505 : i32 to vector<16xi32>
      %gt3A_507 = arith.cmpi sgt, %get3A_459, %gt3A_506 : vector<16xi32>
      %add3A_508 = arith.constant 1.000000e+00 : f32
      %add3A_509 = vector.broadcast %add3A_508 : f32 to vector<16xf32>
      %add3A_510 = arith.addf %sub3A_504, %add3A_509 : vector<16xf32>
      %sub3A_511 = arith.constant 1.000000e+00 : f32
      %sub3A_512 = vector.broadcast %sub3A_511 : f32 to vector<16xf32>
      %sub3A_513 = arith.subf %sub3A_504, %sub3A_512 : vector<16xf32>
      %min3A_514 = arith.constant 0.000000e+00 : f32
      %min3A_515 = vector.broadcast %min3A_514 : f32 to vector<16xf32>
      %min3A_516 = arith.minimumf %min3A_515, %sub3A_513 : vector<16xf32>
      %select_n3A_517 = arith.select %gt3A_507, %add3A_510, %min3A_516 : vector<16xi1>, vector<16xf32>
      %lt3A_518 = arith.constant -1.000000e+00 : f32
      %lt3A_519 = vector.broadcast %lt3A_518 : f32 to vector<16xf32>
      %lt3A_520 = arith.cmpf olt, %get3A_463, %lt3A_519 : vector<16xf32>
      %and3A_521 = arith.andi %gt3A_507, %lt3A_520 : vector<16xi1>
      %add3A_522 = arith.constant 1.000000e+00 : f32
      %add3A_523 = vector.broadcast %add3A_522 : f32 to vector<16xf32>
      %add3A_524 = arith.addf %get3A_461, %add3A_523 : vector<16xf32>
      %max3A_525 = arith.constant 0.000000e+00 : f32
      %max3A_526 = vector.broadcast %max3A_525 : f32 to vector<16xf32>
      %max3A_527 = arith.maximumf %max3A_526, %add3A_524 : vector<16xf32>
      %select_n3A_528 = arith.select %and3A_521, %max3A_527, %select_n3A_517 : vector<16xi1>, vector<16xf32>
      %mul3A_529 = arith.mulf %select_n3A_528, %select_n3A_528 : vector<16xf32>
      %add3A_530 = arith.addf %add3A_448, %mul3A_529 : vector<16xf32>
      %scan3A_531 = arith.constant 6 : i32
      %scan3A_532 = arith.addi %scan3A_52, %scan3A_531 : i32
      %mul3A_533 = arith.constant 16 : i32
      %mul3A_534 = arith.muli %scan3A_532, %mul3A_533 : i32
      %add3A_535 = vector.broadcast %mul3A_534 : i32 to vector<16xi32>
      %add3A_536 = arith.addi %iota3A, %add3A_535 : vector<16xi32>
      %mul3A_537 = arith.constant 2 : i32
      %mul3A_538 = vector.broadcast %mul3A_537 : i32 to vector<16xi32>
      %mul3A_539 = arith.muli %add3A_536, %mul3A_538 : vector<16xi32>
      %get3A_540 = arith.index_cast %mul3A_534 : i32 to index
      %get3A_541 = tpu.vector_load %arg9[%get3A_540] {strides = array<i32>} : memref<1024xi32, #tpu.memory_space<vmem>>, vector<16xi32>,
      %get3A_542 = arith.index_cast %mul3A_534 : i32 to index
      %get3A_543 = tpu.vector_load %arg10[%get3A_542] {strides = array<i32>} : memref<1024xf32, #tpu.memory_space<vmem>>, vector<16xf32>,
      %get3A_544 = arith.index_cast %mul3A_534 : i32 to index
      %get3A_545 = tpu.vector_load %arg11[%get3A_544] {strides = array<i32>} : memref<1024xf32, #tpu.memory_space<vmem>>, vector<16xf32>,
      %add3A_546 = arith.addi %mul3A_539, %get3A_541 : vector<16xi32>
      %gather3A_547 = tpu.vector_load_idx %arg8[%add3A_546] : memref<2048xf32, #tpu.memory_space<vmem>>[vector<16xi32>], vector<16xf32>,
      %xor3A_548 = arith.constant 1 : i32
      %xor3A_549 = vector.broadcast %xor3A_548 : i32 to vector<16xi32>
      %xor3A_550 = arith.xori %add3A_546, %xor3A_549 : vector<16xi32>
      %gather3A_551 = tpu.vector_load_idx %arg8[%xor3A_550] : memref<2048xf32, #tpu.memory_space<vmem>>[vector<16xi32>], vector<16xf32>,
      %sub3A_552 = arith.subf %gather3A_551, %gather3A_547 : vector<16xf32>
      %abs3A_553 = math.absf %sub3A_552 : vector<16xf32>
      %neg3A_554 = arith.constant 0.000000e+00 : f32
      %neg3A_555 = vector.broadcast %neg3A_554 : f32 to vector<16xf32>
      %neg3A_556 = arith.subf %neg3A_555, %abs3A_553 : vector<16xf32>
      %exp3A_557 = math.exp %neg3A_556 : vector<16xf32>
      %add3A_558 = arith.constant 2.000000e+00 : f32
      %add3A_559 = vector.broadcast %add3A_558 : f32 to vector<16xf32>
      %add3A_560 = arith.addf %exp3A_557, %add3A_559 : vector<16xf32>
      %div3A_561 = arith.divf %exp3A_557, %add3A_560 : vector<16xf32>
      %mul3A_562 = arith.mulf %div3A_561, %div3A_561 : vector<16xf32>
      %mul3A_563 = arith.constant 0.142857149 : f32
      %mul3A_564 = vector.broadcast %mul3A_563 : f32 to vector<16xf32>
      %mul3A_565 = arith.mulf %mul3A_564, %mul3A_562 : vector<16xf32>
      %add3A_566 = arith.constant 2.000000e-01 : f32
      %add3A_567 = vector.broadcast %add3A_566 : f32 to vector<16xf32>
      %add3A_568 = arith.addf %mul3A_565, %add3A_567 : vector<16xf32>
      %mul3A_569 = arith.mulf %add3A_568, %mul3A_562 : vector<16xf32>
      %add3A_570 = arith.constant 0.333333343 : f32
      %add3A_571 = vector.broadcast %add3A_570 : f32 to vector<16xf32>
      %add3A_572 = arith.addf %mul3A_569, %add3A_571 : vector<16xf32>
      %mul3A_573 = arith.mulf %add3A_572, %mul3A_562 : vector<16xf32>
      %add3A_574 = arith.constant 1.000000e+00 : f32
      %add3A_575 = vector.broadcast %add3A_574 : f32 to vector<16xf32>
      %add3A_576 = arith.addf %mul3A_573, %add3A_575 : vector<16xf32>
      %max3A_577 = arith.constant 0.000000e+00 : f32
      %max3A_578 = vector.broadcast %max3A_577 : f32 to vector<16xf32>
      %max3A_579 = arith.maximumf %sub3A_552, %max3A_578 : vector<16xf32>
      %mul3A_580 = arith.constant 2.000000e+00 : f32
      %mul3A_581 = vector.broadcast %mul3A_580 : f32 to vector<16xf32>
      %mul3A_582 = arith.mulf %mul3A_581, %div3A_561 : vector<16xf32>
      %mul3A_583 = arith.mulf %mul3A_582, %add3A_576 : vector<16xf32>
      %add3A_584 = arith.addf %max3A_579, %mul3A_583 : vector<16xf32>
      %add3A_585 = arith.addf %add3A_503, %add3A_584 : vector<16xf32>
      %sub3A_586 = arith.subf %get3A_543, %get3A_545 : vector<16xf32>
      %gt3A_587 = arith.constant 0 : i32
      %gt3A_588 = vector.broadcast %gt3A_587 : i32 to vector<16xi32>
      %gt3A_589 = arith.cmpi sgt, %get3A_541, %gt3A_588 : vector<16xi32>
      %add3A_590 = arith.constant 1.000000e+00 : f32
      %add3A_591 = vector.broadcast %add3A_590 : f32 to vector<16xf32>
      %add3A_592 = arith.addf %sub3A_586, %add3A_591 : vector<16xf32>
      %sub3A_593 = arith.constant 1.000000e+00 : f32
      %sub3A_594 = vector.broadcast %sub3A_593 : f32 to vector<16xf32>
      %sub3A_595 = arith.subf %sub3A_586, %sub3A_594 : vector<16xf32>
      %min3A_596 = arith.constant 0.000000e+00 : f32
      %min3A_597 = vector.broadcast %min3A_596 : f32 to vector<16xf32>
      %min3A_598 = arith.minimumf %min3A_597, %sub3A_595 : vector<16xf32>
      %select_n3A_599 = arith.select %gt3A_589, %add3A_592, %min3A_598 : vector<16xi1>, vector<16xf32>
      %lt3A_600 = arith.constant -1.000000e+00 : f32
      %lt3A_601 = vector.broadcast %lt3A_600 : f32 to vector<16xf32>
      %lt3A_602 = arith.cmpf olt, %get3A_545, %lt3A_601 : vector<16xf32>
      %and3A_603 = arith.andi %gt3A_589, %lt3A_602 : vector<16xi1>
      %add3A_604 = arith.constant 1.000000e+00 : f32
      %add3A_605 = vector.broadcast %add3A_604 : f32 to vector<16xf32>
      %add3A_606 = arith.addf %get3A_543, %add3A_605 : vector<16xf32>
      %max3A_607 = arith.constant 0.000000e+00 : f32
      %max3A_608 = vector.broadcast %max3A_607 : f32 to vector<16xf32>
      %max3A_609 = arith.maximumf %max3A_608, %add3A_606 : vector<16xf32>
      %select_n3A_610 = arith.select %and3A_603, %max3A_609, %select_n3A_599 : vector<16xi1>, vector<16xf32>
      %mul3A_611 = arith.mulf %select_n3A_610, %select_n3A_610 : vector<16xf32>
      %add3A_612 = arith.addf %add3A_530, %mul3A_611 : vector<16xf32>
      %scan3A_613 = arith.constant 7 : i32
      %scan3A_614 = arith.addi %scan3A_52, %scan3A_613 : i32
      %mul3A_615 = arith.constant 16 : i32
      %mul3A_616 = arith.muli %scan3A_614, %mul3A_615 : i32
      %add3A_617 = vector.broadcast %mul3A_616 : i32 to vector<16xi32>
      %add3A_618 = arith.addi %iota3A, %add3A_617 : vector<16xi32>
      %mul3A_619 = arith.constant 2 : i32
      %mul3A_620 = vector.broadcast %mul3A_619 : i32 to vector<16xi32>
      %mul3A_621 = arith.muli %add3A_618, %mul3A_620 : vector<16xi32>
      %get3A_622 = arith.index_cast %mul3A_616 : i32 to index
      %get3A_623 = tpu.vector_load %arg9[%get3A_622] {strides = array<i32>} : memref<1024xi32, #tpu.memory_space<vmem>>, vector<16xi32>,
      %get3A_624 = arith.index_cast %mul3A_616 : i32 to index
      %get3A_625 = tpu.vector_load %arg10[%get3A_624] {strides = array<i32>} : memref<1024xf32, #tpu.memory_space<vmem>>, vector<16xf32>,
      %get3A_626 = arith.index_cast %mul3A_616 : i32 to index
      %get3A_627 = tpu.vector_load %arg11[%get3A_626] {strides = array<i32>} : memref<1024xf32, #tpu.memory_space<vmem>>, vector<16xf32>,
      %add3A_628 = arith.addi %mul3A_621, %get3A_623 : vector<16xi32>
      %gather3A_629 = tpu.vector_load_idx %arg8[%add3A_628] : memref<2048xf32, #tpu.memory_space<vmem>>[vector<16xi32>], vector<16xf32>,
      %xor3A_630 = arith.constant 1 : i32
      %xor3A_631 = vector.broadcast %xor3A_630 : i32 to vector<16xi32>
      %xor3A_632 = arith.xori %add3A_628, %xor3A_631 : vector<16xi32>
      %gather3A_633 = tpu.vector_load_idx %arg8[%xor3A_632] : memref<2048xf32, #tpu.memory_space<vmem>>[vector<16xi32>], vector<16xf32>,
      %sub3A_634 = arith.subf %gather3A_633, %gather3A_629 : vector<16xf32>
      %abs3A_635 = math.absf %sub3A_634 : vector<16xf32>
      %neg3A_636 = arith.constant 0.000000e+00 : f32
      %neg3A_637 = vector.broadcast %neg3A_636 : f32 to vector<16xf32>
      %neg3A_638 = arith.subf %neg3A_637, %abs3A_635 : vector<16xf32>
      %exp3A_639 = math.exp %neg3A_638 : vector<16xf32>
      %add3A_640 = arith.constant 2.000000e+00 : f32
      %add3A_641 = vector.broadcast %add3A_640 : f32 to vector<16xf32>
      %add3A_642 = arith.addf %exp3A_639, %add3A_641 : vector<16xf32>
      %div3A_643 = arith.divf %exp3A_639, %add3A_642 : vector<16xf32>
      %mul3A_644 = arith.mulf %div3A_643, %div3A_643 : vector<16xf32>
      %mul3A_645 = arith.constant 0.142857149 : f32
      %mul3A_646 = vector.broadcast %mul3A_645 : f32 to vector<16xf32>
      %mul3A_647 = arith.mulf %mul3A_646, %mul3A_644 : vector<16xf32>
      %add3A_648 = arith.constant 2.000000e-01 : f32
      %add3A_649 = vector.broadcast %add3A_648 : f32 to vector<16xf32>
      %add3A_650 = arith.addf %mul3A_647, %add3A_649 : vector<16xf32>
      %mul3A_651 = arith.mulf %add3A_650, %mul3A_644 : vector<16xf32>
      %add3A_652 = arith.constant 0.333333343 : f32
      %add3A_653 = vector.broadcast %add3A_652 : f32 to vector<16xf32>
      %add3A_654 = arith.addf %mul3A_651, %add3A_653 : vector<16xf32>
      %mul3A_655 = arith.mulf %add3A_654, %mul3A_644 : vector<16xf32>
      %add3A_656 = arith.constant 1.000000e+00 : f32
      %add3A_657 = vector.broadcast %add3A_656 : f32 to vector<16xf32>
      %add3A_658 = arith.addf %mul3A_655, %add3A_657 : vector<16xf32>
      %max3A_659 = arith.constant 0.000000e+00 : f32
      %max3A_660 = vector.broadcast %max3A_659 : f32 to vector<16xf32>
      %max3A_661 = arith.maximumf %sub3A_634, %max3A_660 : vector<16xf32>
      %mul3A_662 = arith.constant 2.000000e+00 : f32
      %mul3A_663 = vector.broadcast %mul3A_662 : f32 to vector<16xf32>
      %mul3A_664 = arith.mulf %mul3A_663, %div3A_643 : vector<16xf32>
      %mul3A_665 = arith.mulf %mul3A_664, %add3A_658 : vector<16xf32>
      %add3A_666 = arith.addf %max3A_661, %mul3A_665 : vector<16xf32>
      %add3A_667 = arith.addf %add3A_585, %add3A_666 : vector<16xf32>
      %sub3A_668 = arith.subf %get3A_625, %get3A_627 : vector<16xf32>
      %gt3A_669 = arith.constant 0 : i32
      %gt3A_670 = vector.broadcast %gt3A_669 : i32 to vector<16xi32>
      %gt3A_671 = arith.cmpi sgt, %get3A_623, %gt3A_670 : vector<16xi32>
      %add3A_672 = arith.constant 1.000000e+00 : f32
      %add3A_673 = vector.broadcast %add3A_672 : f32 to vector<16xf32>
      %add3A_674 = arith.addf %sub3A_668, %add3A_673 : vector<16xf32>
      %sub3A_675 = arith.constant 1.000000e+00 : f32
      %sub3A_676 = vector.broadcast %sub3A_675 : f32 to vector<16xf32>
      %sub3A_677 = arith.subf %sub3A_668, %sub3A_676 : vector<16xf32>
      %min3A_678 = arith.constant 0.000000e+00 : f32
      %min3A_679 = vector.broadcast %min3A_678 : f32 to vector<16xf32>
      %min3A_680 = arith.minimumf %min3A_679, %sub3A_677 : vector<16xf32>
      %select_n3A_681 = arith.select %gt3A_671, %add3A_674, %min3A_680 : vector<16xi1>, vector<16xf32>
      %lt3A_682 = arith.constant -1.000000e+00 : f32
      %lt3A_683 = vector.broadcast %lt3A_682 : f32 to vector<16xf32>
      %lt3A_684 = arith.cmpf olt, %get3A_627, %lt3A_683 : vector<16xf32>
      %and3A_685 = arith.andi %gt3A_671, %lt3A_684 : vector<16xi1>
      %add3A_686 = arith.constant 1.000000e+00 : f32
      %add3A_687 = vector.broadcast %add3A_686 : f32 to vector<16xf32>
      %add3A_688 = arith.addf %get3A_625, %add3A_687 : vector<16xf32>
      %max3A_689 = arith.constant 0.000000e+00 : f32
      %max3A_690 = vector.broadcast %max3A_689 : f32 to vector<16xf32>
      %max3A_691 = arith.maximumf %max3A_690, %add3A_688 : vector<16xf32>
      %select_n3A_692 = arith.select %and3A_685, %max3A_691, %select_n3A_681 : vector<16xi1>, vector<16xf32>
      %mul3A_693 = arith.mulf %select_n3A_692, %select_n3A_692 : vector<16xf32>
      %add3A_694 = arith.addf %add3A_612, %mul3A_693 : vector<16xf32>
      scf.yield %add3A_667, %add3A_694 : vector<16xf32>, vector<16xf32>
    }
    %scan3A_24 = arith.constant 64 : i32
    %reduce_sum3A = arith.constant true
    %reduce_sum3A_25 = vector.broadcast %reduce_sum3A : i1 to vector<16xi1>
    %reduce_sum3A_26 = tpu.scan <sum>, %scan3A_23#0 masked %reduce_sum3A_25 : vector<16xf32>, vector<16xi1> -> vector<16xf32>
    %reduce_sum3A_27 = vector.extract %reduce_sum3A_26[15] : f32 from vector<16xf32>
    %mul3A_28 = arith.constant 2.560000e+02 : f32
    %mul3A_29 = arith.mulf %reduce_sum3A_27, %mul3A_28 : f32
    %add3A = arith.constant 5.000000e-01 : f32
    %add3A_30 = arith.addf %mul3A_29, %add3A : f32
    %convert_element_type3A_31 = arith.fptosi %add3A_30 : f32 to i32
    %reduce_sum3A_32 = arith.constant true
    %reduce_sum3A_33 = vector.broadcast %reduce_sum3A_32 : i1 to vector<16xi1>
    %reduce_sum3A_34 = tpu.scan <sum>, %scan3A_23#1 masked %reduce_sum3A_33 : vector<16xf32>, vector<16xi1> -> vector<16xf32>
    %reduce_sum3A_35 = vector.extract %reduce_sum3A_34[15] : f32 from vector<16xf32>
    %mul3A_36 = arith.constant 2.560000e+02 : f32
    %mul3A_37 = arith.mulf %reduce_sum3A_35, %mul3A_36 : f32
    %add3A_38 = arith.constant 5.000000e-01 : f32
    %add3A_39 = arith.addf %mul3A_37, %add3A_38 : f32
    %convert_element_type3A_40 = arith.fptosi %add3A_39 : f32 to i32
    %sc_fetch_and_add3A = arith.constant 0 : i32
    %sc_fetch_and_add3A_41 = arith.constant 0 : i32
    %sc_fetch_and_add3A_42 = tpu.fetch_and_add_sync %arg13[%sc_fetch_and_add3A], %convert_element_type3A_31, %sc_fetch_and_add3A_41 : memref<2xi32, #tpu.memory_space<smem>>, i32 -> i32
    %sc_fetch_and_add3A_43 = arith.constant 1 : i32
    %sc_fetch_and_add3A_44 = arith.constant 0 : i32
    %sc_fetch_and_add3A_45 = tpu.fetch_and_add_sync %arg13[%sc_fetch_and_add3A_43], %convert_element_type3A_40, %sc_fetch_and_add3A_44 : memref<2xi32, #tpu.memory_space<smem>>, i32 -> i32
    %barrier3A_46 = arith.constant 0 : index
    tpu.barrier barrier_id(%barrier3A_46)
    %eq3A_47 = arith.constant 0 : i32
    %eq3A_48 = arith.cmpi eq, %arg1, %eq3A_47 : i32
    %convert_element_type3A_49 = arith.extui %eq3A_48 : i1 to i32
    %cond3A_50 = arith.constant 0 : i32
    %cond3A_51 = arith.cmpi ne, %convert_element_type3A_49, %cond3A_50 : i32
    scf.if %cond3A_51 {
      %get3A = arith.constant 0 : i32
      %get3A_52 = arith.index_cast %get3A : i32 to index
      %get3A_53 = memref.load %arg13[%get3A_52] : memref<2xi32, #tpu.memory_space<smem>>
      %convert_element_type3A_54 = arith.sitofp %get3A_53 : i32 to f32
      %mul3A_55 = arith.constant 2.38418579E-7 : f32
      %mul3A_56 = arith.mulf %convert_element_type3A_54, %mul3A_55 : f32
      %get3A_57 = arith.constant 1 : i32
      %get3A_58 = arith.index_cast %get3A_57 : i32 to index
      %get3A_59 = memref.load %arg13[%get3A_58] : memref<2xi32, #tpu.memory_space<smem>>
      %convert_element_type3A_60 = arith.sitofp %get3A_59 : i32 to f32
      %mul3A_61 = arith.constant 2.38418579E-7 : f32
      %mul3A_62 = arith.mulf %convert_element_type3A_60, %mul3A_61 : f32
      %mul3A_63 = arith.constant 5.000000e-01 : f32
      %mul3A_64 = arith.mulf %mul3A_63, %mul3A_62 : f32
      %add3A_65 = arith.addf %mul3A_56, %mul3A_64 : f32
      %broadcast_in_dim3A_66 = vector.broadcast %mul3A_62 : f32 to vector<16xf32>
      %swap3A = arith.constant 0 : i32
      %swap3A_67 = arith.index_cast %swap3A : i32 to index
      %swap3A_68 = arith.constant 0 : index
      %swap3A_69 = tpu.vector_load %arg12[%swap3A_67, %swap3A_68] {strides = array<i32>} : memref<2x16xf32, #tpu.memory_space<vmem>>, vector<16xf32>,
      tpu.vector_store %arg12[%swap3A_67, %swap3A_68], %broadcast_in_dim3A_66 {strides = array<i32>} : memref<2x16xf32, #tpu.memory_space<vmem>>, vector<16xf32>,
      %broadcast_in_dim3A_70 = vector.broadcast %add3A_65 : f32 to vector<16xf32>
      %swap3A_71 = arith.constant 1 : i32
      %swap3A_72 = arith.index_cast %swap3A_71 : i32 to index
      %swap3A_73 = arith.constant 0 : index
      %swap3A_74 = tpu.vector_load %arg12[%swap3A_72, %swap3A_73] {strides = array<i32>} : memref<2x16xf32, #tpu.memory_space<vmem>>, vector<16xf32>,
      tpu.vector_store %arg12[%swap3A_72, %swap3A_73], %broadcast_in_dim3A_70 {strides = array<i32>} : memref<2x16xf32, #tpu.memory_space<vmem>>, vector<16xf32>,
      %run_scoped3A = arith.constant 0 : i32
      "tpu.region"() ({
        %run_scoped3A_76 = tpu.sem_alloc : memref<!tpu.dma_semaphore, #tpu.memory_space<semaphore_mem>>
        %dma_start3A_77 = arith.constant 0 : i32
        %dma_start3A_78 = tpu.memref_slice %arg12[%run_scoped3A, %dma_start3A_77] : memref<2x16xf32, #tpu.memory_space<vmem>> -> memref<1x1xf32, #tpu.memory_space<vmem>>
        %dma_start3A_79 = tpu.memref_squeeze %dma_start3A_78 : memref<1x1xf32, #tpu.memory_space<vmem>> -> memref<1xf32, #tpu.memory_space<vmem>>
        %dma_start3A_80 = arith.constant 0 : i32
        %dma_start3A_81 = tpu.memref_slice %arg12[%run_scoped3A, %dma_start3A_80] : memref<2x16xf32, #tpu.memory_space<vmem>> -> memref<1x1xf32, #tpu.memory_space<vmem>>
        %dma_start3A_82 = tpu.memref_squeeze %dma_start3A_81 : memref<1x1xf32, #tpu.memory_space<vmem>> -> memref<1xf32, #tpu.memory_space<vmem>>
        tpu.enqueue_dma source(%dma_start3A_82 : memref<1xf32, #tpu.memory_space<vmem>>) target(%arg6 : memref<1xf32, #tpu.memory_space<hbm>>) target_semaphore(%run_scoped3A_76 : memref<!tpu.dma_semaphore, #tpu.memory_space<semaphore_mem>>)
        %dma_wait3A_83 = arith.constant 0 : i32
        %dma_wait3A_84 = tpu.memref_slice %arg12[%run_scoped3A, %dma_wait3A_83] : memref<2x16xf32, #tpu.memory_space<vmem>> -> memref<1x1xf32, #tpu.memory_space<vmem>>
        %dma_wait3A_85 = tpu.memref_squeeze %dma_wait3A_84 : memref<1x1xf32, #tpu.memory_space<vmem>> -> memref<1xf32, #tpu.memory_space<vmem>>
        %dma_wait3A_86 = arith.constant 0 : i32
        %dma_wait3A_87 = tpu.memref_slice %arg12[%run_scoped3A, %dma_wait3A_86] : memref<2x16xf32, #tpu.memory_space<vmem>> -> memref<1x1xf32, #tpu.memory_space<vmem>>
        %dma_wait3A_88 = tpu.memref_squeeze %dma_wait3A_87 : memref<1x1xf32, #tpu.memory_space<vmem>> -> memref<1xf32, #tpu.memory_space<vmem>>
        tpu.wait_dma2 semaphore(%run_scoped3A_76 : memref<!tpu.dma_semaphore, #tpu.memory_space<semaphore_mem>>) src(%dma_wait3A_88 : memref<1xf32, #tpu.memory_space<vmem>>) dst(%arg6 : memref<1xf32, #tpu.memory_space<hbm>>)
        tpu.yield
      }) : () -> ()
      %run_scoped3A_75 = arith.constant 1 : i32
      "tpu.region"() ({
        %run_scoped3A_76 = tpu.sem_alloc : memref<!tpu.dma_semaphore, #tpu.memory_space<semaphore_mem>>
        %dma_start3A_77 = arith.constant 0 : i32
        %dma_start3A_78 = tpu.memref_slice %arg12[%run_scoped3A_75, %dma_start3A_77] : memref<2x16xf32, #tpu.memory_space<vmem>> -> memref<1x1xf32, #tpu.memory_space<vmem>>
        %dma_start3A_79 = tpu.memref_squeeze %dma_start3A_78 : memref<1x1xf32, #tpu.memory_space<vmem>> -> memref<1xf32, #tpu.memory_space<vmem>>
        %dma_start3A_80 = arith.constant 0 : i32
        %dma_start3A_81 = tpu.memref_slice %arg12[%run_scoped3A_75, %dma_start3A_80] : memref<2x16xf32, #tpu.memory_space<vmem>> -> memref<1x1xf32, #tpu.memory_space<vmem>>
        %dma_start3A_82 = tpu.memref_squeeze %dma_start3A_81 : memref<1x1xf32, #tpu.memory_space<vmem>> -> memref<1xf32, #tpu.memory_space<vmem>>
        tpu.enqueue_dma source(%dma_start3A_82 : memref<1xf32, #tpu.memory_space<vmem>>) target(%arg7 : memref<1xf32, #tpu.memory_space<hbm>>) target_semaphore(%run_scoped3A_76 : memref<!tpu.dma_semaphore, #tpu.memory_space<semaphore_mem>>)
        %dma_wait3A_83 = arith.constant 0 : i32
        %dma_wait3A_84 = tpu.memref_slice %arg12[%run_scoped3A_75, %dma_wait3A_83] : memref<2x16xf32, #tpu.memory_space<vmem>> -> memref<1x1xf32, #tpu.memory_space<vmem>>
        %dma_wait3A_85 = tpu.memref_squeeze %dma_wait3A_84 : memref<1x1xf32, #tpu.memory_space<vmem>> -> memref<1xf32, #tpu.memory_space<vmem>>
        %dma_wait3A_86 = arith.constant 0 : i32
        %dma_wait3A_87 = tpu.memref_slice %arg12[%run_scoped3A_75, %dma_wait3A_86] : memref<2x16xf32, #tpu.memory_space<vmem>> -> memref<1x1xf32, #tpu.memory_space<vmem>>
        %dma_wait3A_88 = tpu.memref_squeeze %dma_wait3A_87 : memref<1x1xf32, #tpu.memory_space<vmem>> -> memref<1xf32, #tpu.memory_space<vmem>>
        tpu.wait_dma2 semaphore(%run_scoped3A_76 : memref<!tpu.dma_semaphore, #tpu.memory_space<semaphore_mem>>) src(%dma_wait3A_88 : memref<1xf32, #tpu.memory_space<vmem>>) dst(%arg7 : memref<1xf32, #tpu.memory_space<hbm>>)
        tpu.yield
      }) : () -> ()
    } else {
    }
    return
  }
}

</mosaic_0001>

<sc_bundles>
// kernel: kernel.3.cloned.1.call-start
scs
__scs_entry_jumppad:
0x0: {  	(pc) =	sbr.rel $0x88, $3  }
0x1: {  	(tag) =	ssettag $0x0;
	lr =	simm.s32 $0x1  }
0x2: {  	[smem:$0x3F9D] =	sst lr;
	_ =	strace $0xD0000000  }
0x3: {  	_ = 	snop  }
0x4: {  	_ = 	snop  }
0x5: {  	_ = 	snop  }
0x6: {  	_ = 	snop  }
0x7: {  	_ = 	snop  }
__scs_overlays_trampoline_lowered:
0x8: {  	[smem:$0x3FAC] =	sst s0  }
0x9: {  	[smem:$0x3FAD] =	sst s1  }
0xa: {  	[smem:$0x3FAE] =	sst s2  }
0xb: {  	[smem:$0x3FAF] =	sst s3  }
0xc: {  	[smem:$0x3FB0] =	sst s4  }
0xd: {  	[smem:$0x3FB1] =	sst s5  }
0xe: {  	[smem:$0x3FB2] =	sst s6  }
0xf: {  	[smem:$0x3FB3] =	sst s7  }
0x10: {  	[smem:$0x3FB4] =	sst s8  }
0x11: {  	[smem:$0x3FB5] =	sst s9;
	s0 =	simm.s32 @!p0 $0x0  }
0x12: {  	s1 =	sld [smem:$0x3F9B];
	s0 =	simm.s32 @p0 $0x1  }
0x13: {  	[smem:$0x3FB6] =	sst s0;
	s0 =	simm.s32 @!p1 $0x0  }
0x14: {  	s2 =	sld [smem:$0x3F9A];
	s0 =	simm.s32 @p1 $0x1  }
0x15: {  	[smem:$0x3FB7] =	sst s0;
	s0 =	simm.s32 @!p2 $0x0  }
0x16: {  	s3 =	sld [smem:$0x3FDB];
	s0 =	simm.s32 @p2 $0x1  }
0x17: {  	s4 =	simm.s32 $0x1BF5;
	[smem:$0x3FB9] =	sst s0  }
0x18: {  	s0 =	sld [smem:$0x3F9C];
	_ =	swait.ge [sflag:s4], $0x0  }
0x19: {  	s7 =	sld [smem:$0x3F9D]  }
0x1a: {  	s8 =	sadd.s32 $0xFFFFE003, lr  }
0x1b: {  	s9 =	sadd.s32 $0xFFFFFEF7, lr;
	s5 =	simm.s32 $0xFFFFFFFF;
	p2 =	slt.u32 s8, $0xFFFFF086  }
0x1c: {  	p1 =	slt.u32 s9, $0xF7A;
	s5 =	simm.s32 @!p2 $0x0  }
0x1d: {  	s5 =	simm.s32 @p1 $0x1;
	p0 =	seq.s32 s7, s2  }
0x1e: {  	s7 =	smul.u32 @!p0 $0xF7A, s2;
	p2 =	seq.s32 @!p0 s5, $0x0  }
0x1f: {  	s9 =	smul.u32 $0xF7A, s1;
	s8 =	simm.s32 @!p0 $0x1BF5;
	p2 =	por !p2, p0  }
0x20: {  	[sflag:s8] =	ssyncset.s32 @!p0 $0xFFFFF086;
	s6 =	sadd.s32 @!p0 s3, s7;
	s7 =	simm.s32 @!p0 $0x108  }
0x21: {  	s3 =	sadd.s32 s3, s9;
	s6 =	sadd.s32 @!p0 $0x88, s6;
	s7 =	simm.s32 @p2 $0x1082  }
0x22: {  	[simem:s7], [sflag:s8] =	dma.local @!p0 [hbm:s6], $0xF7A  }
0x23: {  	s9 =	sor.u32 $0xD0000000, s2;
	s6 =	simm.s32 $0x108;
	_ =	swait.ge @!p0 [sflag:s8], $0x0  }
0x24: {  	s3 =	sadd.s32 $0x88, s3;
	s6 =	simm.s32 @!p1 $0x1082;
	[sflag:s4] =	ssyncset.s32 $0xFFFFF086  }
0x25: {  	[simem:s6], [sflag:s4] =	dma.local [hbm:s3], $0xF7A  }
0x26: {  	[smem:$0x3F9D] =	sst s1;
	(tag) =	ssettag s2;
	_ =	strace s9  }
0x27: {  	s1 =	sld [smem:$0x3FAD]  }
0x28: {  	s2 =	sld [smem:$0x3FAE]  }
0x29: {  	s4 =	sld [smem:$0x3FB0]  }
0x2a: {  	p0 =	seq.s32 s5, $0x0;
	s5 =	sld [smem:$0x3FB1]  }
0x2b: {  	s6 =	sld [smem:$0x3FB2]  }
0x2c: {  	s7 =	sld [smem:$0x3FB3]  }
0x2d: {  	s3 =	simm.s32 $0x108;
	s8 =	sld [smem:$0x3FB4]  }
0x2e: {  	s3 =	simm.s32 @!p0 $0x1082;
	s9 =	sld [smem:$0x3FB5]  }
0x2f: {  	lr =	sadd.s32 s0, s3;
	s0 =	sld [smem:$0x3FAC]  }
0x30: {  	s3 =	sld [smem:$0x3FAF]  }
0x31: {  	[smem:$0x3FB8] =	sst s10  }
0x32: {  	s10 =	sld [smem:$0x3FB6];
	_ =	sdelay $0x3  }
0x33: {  	p0 =	seq.s32 s10, $0x1;
	s10 =	sld [smem:$0x3FB8];
	_ =	sdelay $0x3  }
0x34: {  	[smem:$0x3FB8] =	sst s10  }
0x35: {  	s10 =	sld [smem:$0x3FB7];
	_ =	sdelay $0x3  }
0x36: {  	p1 =	seq.s32 s10, $0x1;
	s10 =	sld [smem:$0x3FB8];
	_ =	sdelay $0x3  }
0x37: {  	[smem:$0x3FB8] =	sst s10  }
0x38: {  	s10 =	sld [smem:$0x3FB9]  }
0x39: {  	_ = 	snop;
	(pc) =	sbr.ind lr, $3  }
0x3a: {  	_ = 	snop  }
0x3b: {  	_ = 	snop  }
0x3c: {  	p2 =	seq.s32 s10, $0x1;
	s10 =	sld [smem:$0x3FB8]  }
0x3d: {  	_ =	shalt  }
0x3e: {  	_ =	shalt  }
0x3f: {  	_ =	shalt  }
0x40: {  	_ =	shalt  }
0x41: {  	_ =	shalt  }
0x42: {  	_ =	shalt  }
0x43: {  	_ =	shalt  }
0x44: {  	_ =	shalt  }
0x45: {  	_ =	shalt  }
0x46: {  	_ =	shalt  }
0x47: {  	_ =	shalt  }
0x48: {  	_ =	shalt  }
0x49: {  	_ =	shalt  }
0x4a: {  	_ =	shalt  }
0x4b: {  	_ =	shalt  }
0x4c: {  	_ =	shalt  }
0x4d: {  	_ =	shalt  }
0x4e: {  	_ =	shalt  }
0x4f: {  	_ =	shalt  }
0x50: {  	_ =	shalt  }
0x51: {  	_ =	shalt  }
0x52: {  	_ =	shalt  }
0x53: {  	_ =	shalt  }
0x54: {  	_ =	shalt  }
0x55: {  	_ =	shalt  }
0x56: {  	_ =	shalt  }
0x57: {  	_ =	shalt  }
0x58: {  	_ =	shalt  }
0x59: {  	_ =	shalt  }
0x5a: {  	_ =	shalt  }
0x5b: {  	_ =	shalt  }
0x5c: {  	_ =	shalt  }
0x5d: {  	_ =	shalt  }
0x5e: {  	_ =	shalt  }
0x5f: {  	_ =	shalt  }
0x60: {  	_ =	shalt  }
0x61: {  	_ =	shalt  }
0x62: {  	_ =	shalt  }
0x63: {  	_ =	shalt  }
0x64: {  	_ =	shalt  }
0x65: {  	_ =	shalt  }
0x66: {  	_ =	shalt  }
0x67: {  	_ =	shalt  }
0x68: {  	_ =	shalt  }
0x69: {  	_ =	shalt  }
0x6a: {  	_ =	shalt  }
0x6b: {  	_ =	shalt  }
0x6c: {  	_ =	shalt  }
0x6d: {  	_ =	shalt  }
0x6e: {  	_ =	shalt  }
0x6f: {  	_ =	shalt  }
0x70: {  	_ =	shalt  }
0x71: {  	_ =	shalt  }
0x72: {  	_ =	shalt  }
0x73: {  	_ =	shalt  }
0x74: {  	_ =	shalt  }
0x75: {  	_ =	shalt  }
0x76: {  	_ =	shalt  }
0x77: {  	_ =	shalt  }
0x78: {  	_ =	shalt  }
0x79: {  	_ =	shalt  }
0x7a: {  	_ =	shalt  }
0x7b: {  	_ =	shalt  }
0x7c: {  	_ =	shalt  }
0x7d: {  	_ =	shalt  }
0x7e: {  	_ =	shalt  }
0x7f: {  	_ =	shalt  }
0x80: {  	_ =	shalt  }
0x81: {  	_ =	shalt  }
0x82: {  	_ =	shalt  }
0x83: {  	_ =	shalt  }
0x84: {  	_ =	shalt  }
0x85: {  	_ =	shalt  }
0x86: {  	_ =	shalt  }
0x87: {  	_ =	shalt  }
.Lfunc_end0:
.L_simem_size_0:
called_computation_lowered:
.L_overlay_start_0:
0x88: {  	s0 =	sld [smem:$0x3FD9]  }
0x89: {  	s1 =	sld [smem:$0x3FFE];
	_ =	sdelay $0x3  }
0x8a: {  	s0 =	sadd.s32 s1, s0  }
0x8b: {  	[smem:$0x3FC4] =	sst s0  }
0x8c: {  	_ = 	snop  }
0x8d: {  	s0 =	sld [smem:$0x3FD0]  }
0x8e: {  	s13 =	sld [smem:$0x3FC8]  }
0x8f: {  	s2 =	sld [smem:$0x3FC7]  }
0x90: {  	s4 =	simm.s32 $0xA;
	s5 =	simm.s32 $0x10;
	s3 =	sld [smem:$0x3FC6]  }
0x91: {  	[smem:s5], [sflag:s4] =	dma.local [hbm:s0], $0x1  }
0x92: {  	_ =	swait.eq [sflag:s4], $0x1  }
0x93: {  	[sflag:s4] =	ssyncset.done $0x0  }
0x94: {  	s14 =	sld [smem:$0x10];
	[sflag:s4] =	ssyncadd.s32 $0xFFFFFFFF  }
0x95: {  	s15 =	sld [smem:$0x11];
	(tm) =	ssettm $0x1  }
0x96: {  	s16 =	sld [smem:$0x3FFB];
	_ =	sdelay $0x3  }
0x97: {  	_ =	strace s16  }
0x98: {  	s5 =	sld [smem:$0x3FFC];
	_ =	sdelay $0x3  }
0x99: {  	_ =	strace s5  }
0x9a: {  	s5 =	sld [smem:$0x3FFD];
	_ =	sdelay $0x3  }
0x9b: {  	_ =	strace s5  }
0x9c: {  	_ =	strace $0x8FFFFFFF  }
0x9d: {  	s17 =	sld [smem:$0x3FDB];
	_ =	sdelay $0x1  }
0x9e: {  	s6 =	simm.s32 $_scs_section_size  }
0x9f: {  	s7 =	simm.s32 $_size__tile_overlayer_lowered;
	s8 =	simm.s32 $_tile_overlayer_lowered  }
0xa0: {  	s20 =	simm.s32 $0x1BFF;
	s19 =	sshll.u32 s8, $0x1;
	s5 =	sadd.s32 s6, s17  }
0xa1: {  	s9 =	simm.s32 $0x0;
	s18 =	sshll.u32 s7, $0x1;
	s7 =	sadd.s32 s19, s5  }
0xa2: {  	[timem:s9], [sflag:s20] =	dma.local [hbm:s7], s18  }
0xa3: {  	_ =	swait.ge [sflag:s20], s18  }
0xa4: {  	s6 =	ssub.s32 $0x0, s18;
	[sflag:s20] =	ssyncset.done $0x0  }
0xa5: {  	[sflag:s20] =	ssyncadd.s32 s6;
	_ =	sdelay $0x1  }
0xa6: {  	s21 =	simm.s32 $0x1B8B  }
0xa7: {  	_ =	swait.ge [sflag:s21], $0x1  }
0xa8: {  	[sflag:s21] =	ssyncset.done $0x0  }
0xa9: {  	s23 =	simm.s32 $0x1B8E;
	s22 =	sld [smem:$0x3FFE];
	[sflag:s21] =	ssyncadd.s32 $0xFFFFFFFF  }
0xaa: {  	s24 =	simm.s32 $execute0_lowered;
	[smem:$0x3FD2] =	sst s23  }
0xab: {  	s7 =	sshll.u32 s24, $0x1;
	_ =	strace $0x80000046;
	[dreg:$0x1] =	wrdreg $0xFFFFFFFF  }
0xac: {  	s25 =	simm.s32 $_size_execute0_lowered;
	s5 =	sadd.s32 s5, s7;
	[dreg:$0x0] =	wrdreg $0x0  }
0xad: {  	s7 =	sshll.u32 s25, $0x1;
	[dreg:$0x2] =	wrdreg s5  }
0xae: {  	[dreg:$0x3] =	wrdreg s7  }
0xaf: {  	[dreg:$0x4] =	wrdreg $0xC0  }
0xb0: {  	_ =	task [dreg:s9], $0x5FFFF  }
0xb1: {  	[dreg:$0x1] =	wrdreg $0xFFFFFFFF  }
0xb2: {  	[dreg:$0x0] =	wrdreg $0x60  }
0xb3: {  	[dreg:$0x2] =	wrdreg s22  }
0xb4: {  	[dreg:$0x3] =	wrdreg s13  }
0xb5: {  	[dreg:$0x4] =	wrdreg s2  }
0xb6: {  	[dreg:$0x5] =	wrdreg s3  }
0xb7: {  	[dreg:$0x6] =	wrdreg s14  }
0xb8: {  	[dreg:$0x7] =	wrdreg s15  }
0xb9: {  	[dreg:$0x8] =	wrdreg $0x9  }
0xba: {  	_ =	task.clear_ibuf [dreg:s9], $0x9FFFF;
	_ =	strace $0x90000046  }
0xbb: {  	s26 =	simm.s32 $0x9;
	_ =	strace $0x80000048  }
0xbc: {  	_ =	swait.ge [sflag:s26], $0x1  }
0xbd: {  	[sflag:s26] =	ssyncadd.s32 $0xFFFFFFFF  }
0xbe: {  	_ =	strace $0x90000048  }
0xbf: {  	_ =	sfence  }
0xc0: {  	s28 =	sld [smem:$0x0];
	_ =	sdelay $0x1  }
0xc1: {  	s29 =	srdreg.scid  }
0xc2: {  	s30 =	sshll.u32 s29, $0xD;
	s31 =	sshrl.u32 s29, $0x2  }
0xc3: {  	s1 =	sand.u32 $0x1, s29;
	s2 =	sand.u32 $0x4000, s30;
	s0 =	sadd.s32 s31, s28  }
0xc4: {  	s1 =	sor.u32 s2, s1;
	s0 =	sshll.u32 s0, $0x11  }
0xc5: {  	s0 =	sor.u32 s0, s1  }
0xc6: {  	s0 =	sadd.s32 $0x8F2B, s0  }
0xc7: {  	[sflag:s0] =	ssyncadd.remote.s32 $0x1  }
0xc8: {  	_ =	sfence.sel $0xFFFF  }
0xc9: {  	[dreg:$0x0] =	wrdreg $0xFFFFFFFF;
	(pc) =	sbr.abs _section_cstart, $3  }
0xca: {  	[dreg:$0x1] =	wrdreg $0xFFFFFFFF  }
0xcb: {  	_ =	task.clear_ibuf [dreg:s9], $0x2FFFF;
	_ =	strace $0x9FFFFFFF  }
0xcc: {  	(tm) =	ssettm $0x7FFFFFFF  }
0xcd: {  	_ =	shalt  }
tec
execute0_lowered:
.L_overlay_start_1:
0x0: {  	(tag) =	ssettag $0x1  }
0x1: {  	s4 =	rddreg [dreg:$0x0]  }
0x2: {  	s5 =	rddreg [dreg:$0x1]  }
0x3: {  	s6 =	rddreg [dreg:$0x2]  }
0x4: {  	s7 =	rddreg [dreg:$0x3]  }
0x5: {  	s2 =	rddreg [dreg:$0x4]  }
0x6: {  	s1 =	rddreg [dreg:$0x5];
	s8 =	stileid.u32  }
0x7: {  	s0 =	rddreg [dreg:$0x6];
	s3 =	simm.s32 $0x0;
	s9 =	sshll.u32 s8, $0x8  }
0x8: {  	[smem:$0x7FF] =	sst s3;
	s17 =	sshll.u32 s8, $0x7;
	s4 =	sadd.s32 s9, s4  }
0x9: {  	p0 =	sne.s32 s8, $0x0;
	_ =	strace $0x80000047;
	s4 =	sadd.s32 $0x800, s4  }
0xa: {  	[tilespmem:s3], [sflag:$0x1] =	stream.linear.gather [hbm4b:s4+s3], $0x800, $0x38;
	[tilespmem:$0x1500] =	vst v63  }
0xb: {  	s19 =	simm.s32 $0x800;
	s18 =	sadd.s32 s5, s17;
	s4 =	simm.s32 @!p0 $0x0  }
0xc: {  	[tilespmem:s19], [sflag:$0x1] =	stream.linear.gather [hbm4b:s18+s3], $0x400, $0x38;
	[tilespmem:$0x1500] =	vst v63  }
0xd: {  	s21 =	simm.s32 $0xC00;
	s20 =	sadd.s32 s6, s17;
	[smem:$0x0] =	sst @!p0 s4  }
0xe: {  	[tilespmem:s21], [sflag:$0x1] =	stream.linear.gather [hbm4b:s20+s3], $0x400, $0x38;
	[tilespmem:$0x1500] =	vst v63  }
0xf: {  	s23 =	simm.s32 $0x1000;
	s22 =	sadd.s32 s7, s17;
	[smem:$0x1] =	sst @!p0 s4  }
0x10: {  	[tilespmem:s23], [sflag:$0x1] =	stream.linear.gather [hbm4b:s22+s3], $0x400, $0x38;
	[tilespmem:$0x1500] =	vst v63  }
0x11: {  	s24 =	simm.s32 $0x1;
	[bflag:$0x0] =	sbarrier.arrive $0xFFFF  }
0x12: {  	_ =	swait.ge [sflag:s24], $0x800  }
0x13: {  	[sflag:s24] =	ssyncset.done $0x0  }
0x14: {  	[sflag:s24] =	ssyncadd.s32 $0xFFFFF800  }
0x15: {  	_ =	swait.ge [sflag:s24], $0x400  }
0x16: {  	[sflag:s24] =	ssyncset.done $0x0  }
0x17: {  	[sflag:s24] =	ssyncadd.s32 $0xFFFFFC00  }
0x18: {  	_ =	swait.ge [sflag:s24], $0x400  }
0x19: {  	[sflag:s24] =	ssyncset.done $0x0  }
0x1a: {  	[sflag:s24] =	ssyncadd.s32 $0xFFFFFC00  }
0x1b: {  	_ =	swait.ge [sflag:s24], $0x400  }
0x1c: {  	[sflag:s24] =	ssyncset.done $0x0  }
0x1d: {  	s25 =	simm.s32 $0xC40;
	[sflag:s24] =	ssyncadd.s32 $0xFFFFFC00  }
0x1e: {  	s4 =	simm.s32 $0x1040;
	v2 =	vld [tilespmem:s25+$0x30]  }
0x1f: {  	v3 =	vld [tilespmem:s4+$0x30]  }
0x20: {  	v4 =	vld [tilespmem:s25+$0x20]  }
0x21: {  	v5 =	vld [tilespmem:s4+$0x20]  }
0x22: {  	v6 =	vld [tilespmem:s25+$0x10]  }
0x23: {  	v7 =	vld [tilespmem:s4+$0x10]  }
0x24: {  	v8 =	vld [tilespmem:s25+$0x0]  }
0x25: {  	v9 =	vld [tilespmem:s4+$0x0]  }
0x26: {  	v10 =	vld [tilespmem:s25+$0xFFFFFFF0]  }
0x27: {  	v11 =	vld [tilespmem:s4+$0xFFFFFFF0]  }
0x28: {  	s5 =	simm.s32 $0x840;
	v12 =	vld [tilespmem:s25+$0xFFFFFFE0]  }
0x29: {  	v1 =	vimm.f32 $0.0e+00;
	v0 =	vlaneseq.u32;
	s26 =	simm.s32 $0x60;
	s28 =	simm.s32 $0x50;
	v15 =	vld [tilespmem:s5+$0x30]  }
0x2a: {  	s29 =	simm.s32 $0x20;
	s10 =	simm.s32 $0x30;
	s11 =	simm.s32 $0x40;
	v0 =	vmul.u32 $0x2, v0;
	v17 =	vmov s26;
	v19 =	vmov s28;
	v18 =	vld [tilespmem:s5+$0x20]  }
0x2b: {  	s30 =	simm.s32 $0x0;
	s31 =	simm.s32 $0x10;
	v20 =	vmov s29;
	v22 =	vmov s10;
	v23 =	vmov s11;
	v21 =	vld [tilespmem:s5+$0x10]  }
0x2c: {  	v24 =	vmov s30;
	v26 =	vmov s31;
	v23 =	vshll.u32 v23, $0x1;
	v25 =	vld [tilespmem:s5+$0x0]  }
0x2d: {  	s6 =	simm.s32 $0x70;
	v19 =	vshll.u32 v19, $0x1;
	v17 =	vshll.u32 v17, $0x1;
	v22 =	vshll.u32 v22, $0x1;
	v27 =	vld [tilespmem:s5+$0xFFFFFFF0]  }
0x2e: {  	v20 =	vshll.u32 v20, $0x1;
	v26 =	vshll.u32 v26, $0x1;
	v16 =	vmov s6;
	v28 =	vld [tilespmem:s5+$0xFFFFFFE0]  }
0x2f: {  	v24 =	vshll.u32 v24, $0x1;
	v17 =	vor.u32 v0, v17;
	v16 =	vshll.u32 v16, $0x1;
	v29 =	vld [tilespmem:s5+$0xFFFFFFD0]  }
0x30: {  	v19 =	vor.u32 v0, v19;
	v23 =	vor.u32 v0, v23;
	v16 =	vor.u32 v0, v16;
	v30 =	vld [tilespmem:s5+$0xFFFFFFC0]  }
0x31: {  	v22 =	vor.u32 v0, v22;
	v26 =	vor.u32 v0, v26;
	v13 =	vld [tilespmem:s4+$0xFFFFFFE0];
	v16 =	vadd.s32 v16, v15  }
0x32: {  	v20 =	vor.u32 v0, v20;
	v24 =	vor.u32 v0, v24;
	v14 =	vld [tilespmem:s25+$0xFFFFFFD0];
	v17 =	vadd.s32 v17, v18  }
0x33: {  	v31 =	vld [tilespmem:s4+$0xFFFFFFD0];
	v19 =	vadd.s32 v19, v21;
	v23 =	vadd.s32 v23, v25;
	v22 =	vadd.s32 v22, v27  }
0x34: {  	v32 =	vld [tilespmem:s25+$0xFFFFFFC0];
	v20 =	vadd.s32 v20, v28;
	vm0 =	vgt.s32 v15, $0x0;
	v15 =	vadd.s32 v26, v29  }
0x35: {  	v33 =	vld [tilespmem:s4+$0xFFFFFFC0];
	vm1 =	vgt.s32 v18, $0x0;
	vm8 =	vlt.f32 v3, $-1.000000000e+00;
	v18 =	vadd.s32 v24, v30  }
0x36: {  	vm6 =	vlt.f32 v5, $-1.000000000e+00;
	v35 =	vadd.f32 $1.000000000e+00, v2;
	vm2 =	vgt.s32 v21, $0x0;
	v34 =	vld.idx.msk [tilespmem:v16+s3+$0x0], $0xffff  }
0x37: {  	v2 =	vsub.f32 v2, v3;
	vm5 =	vlt.f32 v7, $-1.000000000e+00;
	vm3 =	vgt.s32 v25, $0x0;
	v26 =	vld.idx.msk [tilespmem:v17+s3+$0x0], $0xffff  }
0x38: {  	vm7 =	vlt.f32 v9, $-1.000000000e+00;
	v37 =	vadd.f32 $1.000000000e+00, v6;
	vm4 =	vgt.s32 v27, $0x0;
	v24 =	vld.idx.msk [tilespmem:v19+s3+$0x0], $0xffff  }
0x39: {  	v6 =	vsub.f32 v6, v7;
	v7 =	vadd.f32 $1.000000000e+00, v8;
	v3 =	vxor.u32 $0x1, v17;
	v21 =	vld.idx.msk [tilespmem:v23+s3+$0x0], $0xffff  }
0x3a: {  	v27 =	vadd.f32 $1.000000000e+00, v10;
	v8 =	vsub.f32 v8, v9;
	v9 =	vxor.u32 $0x1, v15;
	v36 =	vld.idx.msk [tilespmem:v22+s3+$0x0], $0xffff  }
0x3b: {  	v10 =	vsub.f32 v10, v11;
	v16 =	vxor.u32 $0x1, v16;
	v17 =	vadd.f32 $1.000000000e+00, v4;
	v25 =	vld.idx.msk [tilespmem:v20+s3+$0x0], $0xffff  }
0x3c: {  	v19 =	vxor.u32 $0x1, v19;
	v4 =	vsub.f32 v4, v5;
	v5 =	vxor.u32 $0x1, v23;
	v23 =	vld.idx.msk [tilespmem:v15+s3+$0x0], $0xffff  }
0x3d: {  	v39 =	vadd.f32 $1.000000000e+00, v14;
	vm11 =	vlt.f32 v11, $-1.000000000e+00;
	v11 =	vadd.f32 $1.000000000e+00, v32;
	v38 =	vld.idx.msk [tilespmem:v18+s3+$0x0], $0xffff  }
0x3e: {  	v14 =	vsub.f32 v14, v31;
	vm9 =	vgt.s32 v28, $0x0;
	v22 =	vxor.u32 $0x1, v22;
	v3 =	vld.idx.msk [tilespmem:v3+s3+$0x0], $0xffff  }
0x3f: {  	v28 =	vsub.f32 v32, v33;
	vm13 =	vlt.f32 v13, $-1.000000000e+00;
	v20 =	vxor.u32 $0x1, v20;
	v9 =	vld.idx.msk [tilespmem:v9+s3+$0x0], $0xffff  }
0x40: {  	vm10 =	vgt.s32 v29, $0x0;
	vm14 =	vlt.f32 v31, $-1.000000000e+00;
	v18 =	vxor.u32 $0x1, v18;
	v16 =	vld.idx.msk [tilespmem:v16+s3+$0x0], $0xffff  }
0x41: {  	vm12 =	vgt.s32 v30, $0x0;
	v54 =	vadd.f32 $1.000000000e+00, v2;
	v40 =	vadd.f32 $-1.000000000e+00, v2;
	v19 =	vld.idx.msk [tilespmem:v19+s3+$0x0], $0xffff  }
0x42: {  	vm15 =	vlt.f32 v33, $-1.000000000e+00;
	v29 =	vadd.f32 $1.000000000e+00, v6;
	v31 =	vadd.f32 $1.000000000e+00, v8;
	v5 =	vld.idx.msk [tilespmem:v5+s3+$0x0], $0xffff  }
0x43: {  	v42 =	vadd.f32 $-1.000000000e+00, v6;
	v8 =	vadd.f32 $-1.000000000e+00, v8;
	v6 =	vmax.f32 v35, $0.0e+00;
	v22 =	vld.idx.msk [tilespmem:v22+s3+$0x0], $0xffff  }
0x44: {  	v7 =	vmax.f32 v7, $0.0e+00;
	v15 =	vadd.f32 $1.000000000e+00, v12;
	v12 =	vsub.f32 v12, v13;
	v13 =	vld.idx.msk [tilespmem:v20+s3+$0x0], $0xffff  }
0x45: {  	v11 =	vmax.f32 v11, $0.0e+00;
	v6 =	vsel vm8, v6, v54;
	v41 =	vadd.f32 $-1.000000000e+00, v4;
	v18 =	vld.idx.msk [tilespmem:v18+s3+$0x0], $0xffff  }
0x46: {  	v63 =	vmin.f32 v42, $0.0e+00;
	v20 =	vadd.f32 $1.000000000e+00, v4;
	v3 =	vsub.f32 v3, v26  }
0x47: {  	v8 =	vmin.f32 v8, $0.0e+00;
	v2 =	vsub.f32 v16, v34;
	v4 =	vsub.f32 v19, v24  }
0x48: {  	v7 =	vsel vm7, v7, v31;
	v16 =	vsub.f32 v22, v36;
	v19 =	vsub.f32 v5, v21  }
0x49: {  	v7 =	vsel vm3, v7, v8;
	v21 =	vsub.f32 v9, v23;
	v22 =	vsub.f32 v13, v25  }
0x4a: {  	v24 =	vsub.f32 v18, v38;
	v5 =	vand.u32 $0x7FFFFFFF, v3;
	v9 =	vand.u32 $0x7FFFFFFF, v2  }
0x4b: {  	v5 =	vsub.f32 $0.0e+00, v5;
	v13 =	vand.u32 $0x7FFFFFFF, v19;
	v9 =	vsub.f32 $0.0e+00, v9  }
0x4c: {  	v18 =	vand.u32 $0x7FFFFFFF, v4;
	v23 =	vand.u32 $0x7FFFFFFF, v22;
	v25 =	vand.u32 $0x7FFFFFFF, v16  }
0x4d: {  	v26 =	vand.u32 $0x7FFFFFFF, v21;
	v18 =	vsub.f32 $0.0e+00, v18;
	v9 =	vmul.f32 $1.442695020e+00, v9  }
0x4e: {  	v30 =	vand.u32 $0x7FFFFFFF, v24;
	v13 =	vsub.f32 $0.0e+00, v13;
	v5 =	vmul.f32 $1.442695020e+00, v5  }
0x4f: {  	v25 =	vsub.f32 $0.0e+00, v25;
	v18 =	vmul.f32 $1.442695020e+00, v18;
	(erf) = vpow2.f32 v9  }
0x50: {  	v13 =	vmul.f32 $1.442695020e+00, v13;
	v9 =	vsub.f32 $0.0e+00, v23;
	(erf) = vpow2.f32 v5  }
0x51: {  	v23 =	vmul.f32 $1.442695020e+00, v25;
	v5 =	vsub.f32 $0.0e+00, v26;
	(erf) = vpow2.f32 v18  }
0x52: {  	v18 =	vsub.f32 $0.0e+00, v30;
	v9 =	vmul.f32 $1.442695020e+00, v9;
	(erf) = vpow2.f32 v13  }
0x53: {  	v17 =	vmax.f32 v17, $0.0e+00;
	v5 =	vmul.f32 $1.442695020e+00, v5;
	(erf) = vpow2.f32 v23  }
0x54: {  	v15 =	vmax.f32 v15, $0.0e+00;
	v18 =	vmul.f32 $1.442695020e+00, v18;
	(erf) = vpow2.f32 v9  }
0x55: {  	v25 =	vadd.f32 $1.000000000e+00, v12;
	v12 =	vadd.f32 $-1.000000000e+00, v12;
	(erf) = vpow2.f32 v5  }
0x56: {  	v59 =	vmin.f32 v41, $0.0e+00;
	v17 =	vsel vm6, v17, v20;
	(erf) = vpow2.f32 v18  }
0x57: {  	v16 =	vmax.f32 v16, $0.0e+00;
	v26 =	vmax.f32 v39, $0.0e+00;
	v12 =	vmin.f32 v12, $0.0e+00  }
0x58: {  	v15 =	vsel vm13, v15, v25;
	v13 =	vmax.f32 v37, $0.0e+00;
	v23 =	vadd.f32 $1.000000000e+00, v10;
	v30 =	vpop (erf)  }
0x59: {  	v12 =	vsel vm9, v15, v12;
	v10 =	vadd.f32 $-1.000000000e+00, v10;
	v55 =	vadd.f32 $2.000000000e+00, v30;
	v56 =	vpop (erf)  }
0x5a: {  	v13 =	vsel vm5, v13, v29;
	v12 =	vmul.f32 v12, v12;
	v57 =	vadd.f32 $2.000000000e+00, v56;
	v58 =	vpop (erf)  }
0x5b: {  	v9 =	vmax.f32 v27, $0.0e+00;
	v60 =	vadd.f32 $2.000000000e+00, v58;
	(erf) = vrcp.f32 v55;
	v61 =	vpop (erf)  }
0x5c: {  	v27 =	vadd.f32 $1.000000000e+00, v28;
	v20 =	vadd.f32 $2.000000000e+00, v61;
	v62 =	vpop (erf);
	(erf) = vrcp.f32 v57  }
0x5d: {  	v28 =	vadd.f32 $-1.000000000e+00, v28;
	v44 =	vadd.f32 $2.000000000e+00, v62;
	(erf) = vrcp.f32 v60;
	v45 =	vpop (erf)  }
0x5e: {  	v13 =	vsel vm2, v13, v63;
	v29 =	vadd.f32 $2.000000000e+00, v45;
	v46 =	vpop (erf);
	(erf) = vrcp.f32 v20  }
0x5f: {  	v5 =	vmin.f32 v40, $0.0e+00;
	v20 =	vadd.f32 $2.000000000e+00, v46;
	(erf) = vrcp.f32 v44;
	v47 =	vpop (erf)  }
0x60: {  	v10 =	vmin.f32 v10, $0.0e+00;
	v31 =	vadd.f32 $2.000000000e+00, v47;
	(erf) = vrcp.f32 v29  }
0x61: {  	v9 =	vsel vm11, v9, v23;
	v8 =	vmul.f32 v13, v13;
	(erf) = vrcp.f32 v20  }
0x62: {  	v18 =	vadd.f32 $1.000000000e+00, v14;
	v14 =	vadd.f32 $-1.000000000e+00, v14;
	(erf) = vrcp.f32 v31  }
0x63: {  	v11 =	vsel vm15, v11, v27;
	v10 =	vsel vm4, v9, v10;
	v9 =	vmul.f32 v7, v7  }
0x64: {  	v14 =	vmin.f32 v14, $0.0e+00;
	v18 =	vsel vm14, v26, v18;
	v20 =	vmin.f32 v28, $0.0e+00;
	v23 =	vpop (erf)  }
0x65: {  	v14 =	vsel vm10, v18, v14;
	v13 =	vsel vm12, v11, v20;
	v11 =	vmul.f32 v10, v10;
	v7 =	vpop (erf)  }
0x66: {  	v10 =	vsel vm1, v17, v59;
	v18 =	vmul.f32 v13, v13;
	v25 =	vmul.f32 v23, v30;
	v15 =	vpop (erf)  }
0x67: {  	v13 =	vmul.f32 v14, v14;
	v14 =	vmax.f32 v19, $0.0e+00;
	v7 =	vmul.f32 v7, v56;
	v20 =	vpop (erf)  }
0x68: {  	v23 =	vmax.f32 v21, $0.0e+00;
	v26 =	vmul.f32 v15, v58;
	v21 =	vmul.f32 v25, v25;
	v17 =	vpop (erf)  }
0x69: {  	v19 =	vmax.f32 v22, $0.0e+00;
	v28 =	vmul.f32 v20, v61;
	v22 =	vmul.f32 v7, v7;
	v15 =	vpop (erf)  }
0x6a: {  	v27 =	vmul.f32 v17, v62;
	v20 =	vadd.f32 v26, v26;
	v26 =	vmul.f32 v26, v26;
	v17 =	vpop (erf)  }
0x6b: {  	v31 =	vmax.f32 v24, $0.0e+00;
	v30 =	vmul.f32 v15, v45;
	v29 =	vmul.f32 v17, v46;
	v17 =	vpop (erf)  }
0x6c: {  	v15 =	vadd.f32 v25, v25;
	v54 =	vmul.f32 $1.428571490e-01, v22;
	v48 =	vmul.f32 v17, v47  }
0x6d: {  	v24 =	vadd.f32 v28, v28;
	v49 =	vmul.f32 v27, v27;
	v57 =	vmul.f32 $1.428571490e-01, v26  }
0x6e: {  	v17 =	vadd.f32 v7, v7;
	v7 =	vmul.f32 v28, v28;
	v25 =	vmul.f32 v48, v48  }
0x6f: {  	v27 =	vadd.f32 v27, v27;
	v51 =	vmul.f32 v30, v30;
	v50 =	vmul.f32 v29, v29  }
0x70: {  	v28 =	vadd.f32 v30, v30;
	v38 =	vadd.f32 $2.000000030e-01, v54;
	v30 =	vmul.f32 $1.428571490e-01, v25  }
0x71: {  	v52 =	vadd.f32 v29, v29;
	v29 =	vmul.f32 $1.428571490e-01, v21;
	v53 =	vmul.f32 $1.428571490e-01, v50  }
0x72: {  	v58 =	vmul.f32 $1.428571490e-01, v49;
	v41 =	vadd.f32 $2.000000030e-01, v57;
	v30 =	vadd.f32 $2.000000030e-01, v30  }
0x73: {  	v55 =	vmul.f32 $1.428571490e-01, v7;
	v56 =	vmul.f32 $1.428571490e-01, v51;
	v37 =	vadd.f32 $2.000000030e-01, v53  }
0x74: {  	v32 =	vadd.f32 v48, v48;
	v38 =	vmul.f32 v38, v22;
	v30 =	vmul.f32 v30, v25  }
0x75: {  	v29 =	vadd.f32 $2.000000030e-01, v29;
	v40 =	vadd.f32 $2.000000030e-01, v56;
	v37 =	vmul.f32 v37, v50  }
0x76: {  	v42 =	vadd.f32 $2.000000030e-01, v58;
	v59 =	vmul.f32 v41, v26;
	v30 =	vadd.f32 $3.333333430e-01, v30  }
0x77: {  	v29 =	vmul.f32 v29, v21;
	v40 =	vmul.f32 v40, v51;
	v37 =	vadd.f32 $3.333333430e-01, v37  }
0x78: {  	v61 =	vmul.f32 v42, v49;
	v25 =	vmul.f32 v30, v25;
	v30 =	vadd.f32 $2.000000030e-01, v55  }
0x79: {  	v36 =	vadd.f32 $3.333333430e-01, v59;
	v60 =	vadd.f32 $3.333333430e-01, v40;
	v33 =	vmul.f32 v37, v50  }
0x7a: {  	v62 =	vadd.f32 $3.333333430e-01, v61;
	v25 =	vadd.f32 $1.000000000e+00, v25;
	v30 =	vmul.f32 v30, v7  }
0x7b: {  	v29 =	vadd.f32 $3.333333430e-01, v29;
	v34 =	vmul.f32 v60, v51;
	v33 =	vadd.f32 $1.000000000e+00, v33  }
0x7c: {  	v35 =	vmul.f32 v62, v49;
	v25 =	vmul.f32 v25, v32;
	v63 =	vadd.f32 $3.333333430e-01, v30  }
0x7d: {  	v34 =	vadd.f32 $1.000000000e+00, v34;
	v33 =	vmul.f32 v33, v52;
	v30 =	vadd.f32 $3.333333430e-01, v38  }
0x7e: {  	s8 =	simm.s32 $0xCC0;
	s7 =	simm.s32 $0x0;
	v32 =	vadd.f32 v25, v31;
	v31 =	vmul.f32 v63, v7;
	v7 =	vimm.f32 $0.0e+00  }
.LBB2_1:
0x7f: {  	v25 =	vld [tilespmem:s8+$0x30];
	v33 =	vadd.f32 v33, v23;
	v28 =	vmul.f32 v34, v28;
	v34 =	vadd.f32 $1.000000000e+00, v35;
	s4 =	sadd.s32 $0x80, s4  }
0x80: {  	v7 =	vadd.f32 v18, v7;
	v23 =	vld [tilespmem:s4+$0x30];
	v1 =	vadd.f32 v32, v1;
	v26 =	vmul.f32 v36, v26  }
0x81: {  	v31 =	vadd.f32 $1.000000000e+00, v31;
	v18 =	vld [tilespmem:s8+$0x20];
	v28 =	vadd.f32 v28, v19;
	v27 =	vmul.f32 v34, v27  }
0x82: {  	v22 =	vmul.f32 v30, v22;
	v7 =	vadd.f32 v13, v7;
	v19 =	vld [tilespmem:s4+$0x20];
	v1 =	vadd.f32 v33, v1  }
0x83: {  	v24 =	vmul.f32 v31, v24;
	v26 =	vadd.f32 $1.000000000e+00, v26;
	v13 =	vld [tilespmem:s8+$0x10];
	v27 =	vadd.f32 v27, v16  }
0x84: {  	v21 =	vmul.f32 v29, v21;
	v7 =	vadd.f32 v12, v7;
	v16 =	vld [tilespmem:s4+$0x10];
	v1 =	vadd.f32 v28, v1  }
0x85: {  	v22 =	vadd.f32 $1.000000000e+00, v22;
	v24 =	vadd.f32 v24, v14;
	v20 =	vmul.f32 v26, v20;
	v12 =	vld [tilespmem:s8+$0x0]  }
0x86: {  	v7 =	vadd.f32 v11, v7;
	v11 =	vmax.f32 v4, $0.0e+00;
	v14 =	vld [tilespmem:s4+$0x0];
	v1 =	vadd.f32 v27, v1  }
0x87: {  	v21 =	vadd.f32 $1.000000000e+00, v21;
	v17 =	vmul.f32 v22, v17;
	v20 =	vadd.f32 v20, v11;
	v4 =	vld [tilespmem:s8+$0xFFFFFFF0]  }
0x88: {  	v3 =	vmax.f32 v3, $0.0e+00;
	v7 =	vadd.f32 v9, v7;
	v11 =	vld [tilespmem:s4+$0xFFFFFFF0];
	v1 =	vadd.f32 v24, v1  }
0x89: {  	v10 =	vmul.f32 v10, v10;
	v15 =	vmul.f32 v21, v15;
	v17 =	vadd.f32 v17, v3;
	v9 =	vld [tilespmem:s8+$0xFFFFFFE0]  }
0x8a: {  	v2 =	vmax.f32 v2, $0.0e+00;
	s6 =	sadd.s32 $0x80, s6;
	v7 =	vadd.f32 v8, v7;
	v3 =	vld [tilespmem:s4+$0xFFFFFFE0];
	v1 =	vadd.f32 v20, v1  }
0x8b: {  	v5 =	vsel vm0, v6, v5;
	v15 =	vadd.f32 v15, v2;
	v20 =	vmov s6;
	v8 =	vld [tilespmem:s8+$0xFFFFFFD0]  }
0x8c: {  	s5 =	sadd.s32 $0x80, s5;
	s9 =	sadd.s32 $0xFFFFFFF0, s6;
	v5 =	vmul.f32 v5, v5;
	v6 =	vadd.f32 v10, v7;
	v2 =	vld [tilespmem:s4+$0xFFFFFFD0];
	v1 =	vadd.f32 v17, v1  }
0x8d: {  	s10 =	sadd.s32 $0xFFFFFFE0, s6;
	v10 =	vmov s9;
	v17 =	vshll.u32 v20, $0x1;
	v20 =	vld [tilespmem:s5+$0x30]  }
0x8e: {  	s11 =	sadd.s32 $0xFFFFFFC0, s6;
	s12 =	sadd.s32 $0xFFFFFFD0, s6;
	v21 =	vmov s10;
	s9 =	sadd.s32 $0xFFFFFFB0, s6;
	v7 =	vadd.f32 v5, v6;
	v22 =	vld [tilespmem:s5+$0x20];
	v1 =	vadd.f32 v15, v1  }
0x8f: {  	s13 =	sadd.s32 $0xFFFFFFA0, s6;
	s10 =	sadd.s32 $0xFFFFFF90, s6;
	v5 =	vmov s9;
	v6 =	vmov s11;
	v15 =	vmov s12;
	v24 =	vld [tilespmem:s5+$0x10]  }
0x90: {  	v26 =	vmov s10;
	v27 =	vmov s13;
	v17 =	vor.u32 v0, v17;
	v28 =	vld [tilespmem:s5+$0x0]  }
0x91: {  	v21 =	vshll.u32 v21, $0x1;
	v10 =	vshll.u32 v10, $0x1;
	v15 =	vshll.u32 v15, $0x1;
	v29 =	vld [tilespmem:s5+$0xFFFFFFF0]  }
0x92: {  	v10 =	vor.u32 v0, v10;
	v6 =	vshll.u32 v6, $0x1;
	v30 =	vld [tilespmem:s5+$0xFFFFFFE0];
	v17 =	vadd.s32 v17, v20  }
0x93: {  	v21 =	vor.u32 v0, v21;
	v5 =	vshll.u32 v5, $0x1;
	v31 =	vld [tilespmem:s5+$0xFFFFFFD0];
	v10 =	vadd.s32 v10, v22  }
0x94: {  	v27 =	vshll.u32 v27, $0x1;
	v15 =	vor.u32 v0, v15;
	v32 =	vld [tilespmem:s5+$0xFFFFFFC0];
	v21 =	vadd.s32 v21, v24  }
0x95: {  	v26 =	vshll.u32 v26, $0x1;
	v6 =	vor.u32 v0, v6;
	v33 =	vld [tilespmem:s8+$0xFFFFFFC0];
	v15 =	vadd.s32 v15, v28  }
0x96: {  	v27 =	vor.u32 v0, v27;
	v5 =	vor.u32 v0, v5;
	v34 =	vld [tilespmem:s4+$0xFFFFFFC0];
	v6 =	vadd.s32 v6, v29  }
0x97: {  	v26 =	vor.u32 v0, v26;
	vm0 =	vgt.s32 v20, $0x0;
	v5 =	vadd.s32 v5, v30;
	v35 =	vld.idx.msk [tilespmem:v17+s3+$0x0], $0xffff  }
0x98: {  	vm9 =	vlt.f32 v23, $-1.000000000e+00;
	vm1 =	vgt.s32 v22, $0x0;
	v20 =	vadd.s32 v27, v31;
	v27 =	vld.idx.msk [tilespmem:v10+s3+$0x0], $0xffff  }
0x99: {  	v36 =	vadd.f32 $1.000000000e+00, v25;
	vm7 =	vlt.f32 v19, $-1.000000000e+00;
	v22 =	vadd.s32 v26, v32;
	v26 =	vld.idx.msk [tilespmem:v21+s3+$0x0], $0xffff  }
0x9a: {  	v23 =	vsub.f32 v25, v23;
	vm2 =	vgt.s32 v24, $0x0;
	v17 =	vxor.u32 $0x1, v17;
	v37 =	vld.idx.msk [tilespmem:v15+s3+$0x0], $0xffff  }
0x9b: {  	v25 =	vadd.f32 $1.000000000e+00, v18;
	vm6 =	vlt.f32 v16, $-1.000000000e+00;
	v10 =	vxor.u32 $0x1, v10;
	v24 =	vld.idx.msk [tilespmem:v6+s3+$0x0], $0xffff  }
0x9c: {  	v18 =	vsub.f32 v18, v19;
	vm3 =	vgt.s32 v28, $0x0;
	v21 =	vxor.u32 $0x1, v21;
	v38 =	vld.idx.msk [tilespmem:v5+s3+$0x0], $0xffff  }
0x9d: {  	vm8 =	vlt.f32 v14, $-1.000000000e+00;
	v28 =	vadd.f32 $1.000000000e+00, v13;
	v15 =	vxor.u32 $0x1, v15;
	v19 =	vld.idx.msk [tilespmem:v20+s3+$0x0], $0xffff  }
0x9e: {  	v13 =	vsub.f32 v13, v16;
	vm4 =	vgt.s32 v29, $0x0;
	v6 =	vxor.u32 $0x1, v6;
	v39 =	vld.idx.msk [tilespmem:v22+s3+$0x0], $0xffff  }
0x9f: {  	vm5 =	vlt.f32 v11, $-1.000000000e+00;
	v16 =	vadd.f32 $1.000000000e+00, v12;
	v5 =	vxor.u32 $0x1, v5;
	v17 =	vld.idx.msk [tilespmem:v17+s3+$0x0], $0xffff  }
0xa0: {  	v12 =	vsub.f32 v12, v14;
	v29 =	vadd.f32 $1.000000000e+00, v4;
	v20 =	vxor.u32 $0x1, v20;
	v10 =	vld.idx.msk [tilespmem:v10+s3+$0x0], $0xffff  }
0xa1: {  	s7 =	sadd.s32 $0x8, s7;
	v11 =	vsub.f32 v4, v11;
	v14 =	vxor.u32 $0x1, v22;
	v22 =	vadd.f32 $1.000000000e+00, v9;
	v4 =	vld.idx.msk [tilespmem:v21+s3+$0x0], $0xffff  }
0xa2: {  	p1 =	slt.u32 s7, $0x38;
	vm10 =	vgt.s32 v30, $0x0;
	v9 =	vsub.f32 v9, v3;
	v21 =	vadd.f32 $1.000000000e+00, v8;
	v15 =	vld.idx.msk [tilespmem:v15+s3+$0x0], $0xffff  }
0xa3: {  	vm13 =	vlt.f32 v3, $-1.000000000e+00;
	v30 =	vadd.f32 $1.000000000e+00, v33;
	v8 =	vsub.f32 v8, v2;
	v6 =	vld.idx.msk [tilespmem:v6+s3+$0x0], $0xffff  }
0xa4: {  	vm11 =	vgt.s32 v31, $0x0;
	v31 =	vadd.f32 $1.000000000e+00, v23;
	v33 =	vsub.f32 v33, v34;
	v5 =	vld.idx.msk [tilespmem:v5+s3+$0x0], $0xffff  }
0xa5: {  	v41 =	vadd.f32 $1.000000000e+00, v18;
	vm14 =	vlt.f32 v2, $-1.000000000e+00;
	v23 =	vadd.f32 $-1.000000000e+00, v23;
	v40 =	vld.idx.msk [tilespmem:v20+s3+$0x0], $0xffff  }
0xa6: {  	v18 =	vadd.f32 $-1.000000000e+00, v18;
	vm12 =	vgt.s32 v32, $0x0;
	v32 =	vadd.f32 $1.000000000e+00, v13;
	v42 =	vld.idx.msk [tilespmem:v14+s3+$0x0], $0xffff  }
0xa7: {  	v13 =	vadd.f32 $-1.000000000e+00, v13;
	vm15 =	vlt.f32 v34, $-1.000000000e+00;
	v34 =	vadd.f32 $1.000000000e+00, v12  }
0xa8: {  	v12 =	vadd.f32 $-1.000000000e+00, v12;
	v2 =	vsub.f32 v17, v35;
	v35 =	vmax.f32 v36, $0.0e+00  }
0xa9: {  	v3 =	vsub.f32 v10, v27;
	v10 =	vmax.f32 v25, $0.0e+00;
	v4 =	vsub.f32 v4, v26  }
0xaa: {  	v20 =	vsub.f32 v15, v37;
	v14 =	vsub.f32 v6, v24;
	v24 =	vmax.f32 v28, $0.0e+00  }
0xab: {  	v16 =	vmax.f32 v16, $0.0e+00;
	v17 =	vsub.f32 v40, v19;
	v19 =	vsub.f32 v5, v38  }
0xac: {  	v6 =	vand.u32 $0x7FFFFFFF, v2;
	v5 =	vand.u32 $0x7FFFFFFF, v3;
	v15 =	vsub.f32 v42, v39  }
0xad: {  	v26 =	vand.u32 $0x7FFFFFFF, v4;
	v25 =	vand.u32 $0x7FFFFFFF, v20;
	v6 =	vsub.f32 $0.0e+00, v6  }
0xae: {  	v28 =	vand.u32 $0x7FFFFFFF, v14;
	v5 =	vsub.f32 $0.0e+00, v5;
	v27 =	vand.u32 $0x7FFFFFFF, v19  }
0xaf: {  	v26 =	vsub.f32 $0.0e+00, v26;
	v6 =	vmul.f32 $1.442695020e+00, v6;
	v36 =	vand.u32 $0x7FFFFFFF, v17  }
0xb0: {  	v25 =	vsub.f32 $0.0e+00, v25;
	v37 =	vand.u32 $0x7FFFFFFF, v15;
	v5 =	vmul.f32 $1.442695020e+00, v5  }
0xb1: {  	v28 =	vsub.f32 $0.0e+00, v28;
	v26 =	vmul.f32 $1.442695020e+00, v26;
	(erf) = vpow2.f32 v6  }
0xb2: {  	v25 =	vmul.f32 $1.442695020e+00, v25;
	v6 =	vsub.f32 $0.0e+00, v27;
	(erf) = vpow2.f32 v5  }
0xb3: {  	v27 =	vmul.f32 $1.442695020e+00, v28;
	v5 =	vsub.f32 $0.0e+00, v36;
	(erf) = vpow2.f32 v26  }
0xb4: {  	v26 =	vsub.f32 $0.0e+00, v37;
	v6 =	vmul.f32 $1.442695020e+00, v6;
	(erf) = vpow2.f32 v25  }
0xb5: {  	v5 =	vmul.f32 $1.442695020e+00, v5;
	v25 =	vmax.f32 v29, $0.0e+00;
	(erf) = vpow2.f32 v27  }
0xb6: {  	v26 =	vmul.f32 $1.442695020e+00, v26;
	v27 =	vadd.f32 $1.000000000e+00, v11;
	(erf) = vpow2.f32 v6  }
0xb7: {  	v22 =	vmax.f32 v22, $0.0e+00;
	v11 =	vadd.f32 $-1.000000000e+00, v11;
	(erf) = vpow2.f32 v5  }
0xb8: {  	v28 =	vadd.f32 $1.000000000e+00, v9;
	v9 =	vadd.f32 $-1.000000000e+00, v9;
	(erf) = vpow2.f32 v26  }
0xb9: {  	v21 =	vmax.f32 v21, $0.0e+00;
	v26 =	vadd.f32 $1.000000000e+00, v8;
	v8 =	vadd.f32 $-1.000000000e+00, v8  }
0xba: {  	v30 =	vmax.f32 v30, $0.0e+00;
	v29 =	vadd.f32 $1.000000000e+00, v33;
	v33 =	vadd.f32 $-1.000000000e+00, v33;
	v36 =	vpop (erf)  }
0xbb: {  	v6 =	vsel vm9, v35, v31;
	v5 =	vmin.f32 v23, $0.0e+00;
	v37 =	vadd.f32 $2.000000000e+00, v36;
	v23 =	vpop (erf)  }
0xbc: {  	v10 =	vsel vm7, v10, v41;
	v35 =	vmin.f32 v18, $0.0e+00;
	v31 =	vadd.f32 $2.000000000e+00, v23;
	v38 =	vpop (erf)  }
0xbd: {  	v13 =	vmin.f32 v13, $0.0e+00;
	v18 =	vadd.f32 $2.000000000e+00, v38;
	v39 =	vpop (erf);
	(erf) = vrcp.f32 v37  }
0xbe: {  	v24 =	vsel vm6, v24, v32;
	v37 =	vadd.f32 $2.000000000e+00, v39;
	v32 =	vpop (erf);
	(erf) = vrcp.f32 v31  }
0xbf: {  	v12 =	vmin.f32 v12, $0.0e+00;
	v31 =	vadd.f32 $2.000000000e+00, v32;
	v40 =	vpop (erf);
	(erf) = vrcp.f32 v18  }
0xc0: {  	v16 =	vsel vm8, v16, v34;
	v18 =	vadd.f32 $2.000000000e+00, v40;
	v34 =	vpop (erf);
	(erf) = vrcp.f32 v37  }
0xc1: {  	v11 =	vmin.f32 v11, $0.0e+00;
	v37 =	vadd.f32 $2.000000000e+00, v34;
	v41 =	vpop (erf);
	(erf) = vrcp.f32 v31  }
0xc2: {  	v25 =	vsel vm5, v25, v27;
	v31 =	vadd.f32 $2.000000000e+00, v41;
	(erf) = vrcp.f32 v18  }
0xc3: {  	v9 =	vmin.f32 v9, $0.0e+00;
	v18 =	vsel vm13, v22, v28;
	(erf) = vrcp.f32 v37  }
0xc4: {  	v8 =	vmin.f32 v8, $0.0e+00;
	v21 =	vsel vm14, v21, v26;
	(erf) = vrcp.f32 v31  }
0xc5: {  	v13 =	vsel vm2, v24, v13;
	v26 =	vsel vm15, v30, v29;
	v22 =	vmin.f32 v33, $0.0e+00  }
0xc6: {  	v11 =	vsel vm4, v25, v11;
	v18 =	vsel vm10, v18, v9;
	v9 =	vsel vm3, v16, v12;
	v24 =	vpop (erf)  }
0xc7: {  	v16 =	vsel vm11, v21, v8;
	v8 =	vmul.f32 v13, v13;
	v9 =	vmul.f32 v9, v9;
	v21 =	vpop (erf)  }
0xc8: {  	v11 =	vmul.f32 v11, v11;
	v13 =	vsel vm12, v26, v22;
	v12 =	vmul.f32 v18, v18;
	v22 =	vpop (erf)  }
0xc9: {  	v10 =	vsel vm1, v10, v35;
	v18 =	vmul.f32 v13, v13;
	v13 =	vmul.f32 v16, v16;
	v25 =	vpop (erf)  }
0xca: {  	v16 =	vmax.f32 v14, $0.0e+00;
	v14 =	vmax.f32 v20, $0.0e+00;
	v24 =	vmul.f32 v24, v36;
	v20 =	vpop (erf)  }
0xcb: {  	v19 =	vmax.f32 v19, $0.0e+00;
	v21 =	vmul.f32 v21, v23;
	v26 =	vmul.f32 v22, v38;
	v22 =	vpop (erf)  }
0xcc: {  	v23 =	vmax.f32 v17, $0.0e+00;
	v25 =	vmul.f32 v25, v39;
	v27 =	vmul.f32 v20, v32;
	v17 =	vpop (erf)  }
0xcd: {  	v31 =	vmax.f32 v15, $0.0e+00;
	v28 =	vmul.f32 v22, v40;
	v29 =	vmul.f32 v17, v34;
	v15 =	vpop (erf)  }
0xce: {  	v17 =	vadd.f32 v21, v21;
	v30 =	vmul.f32 v15, v41;
	v15 =	vadd.f32 v24, v24  }
0xcf: {  	v20 =	vadd.f32 v26, v26;
	v22 =	vmul.f32 v21, v21;
	v21 =	vmul.f32 v24, v24  }
0xd0: {  	v26 =	vmul.f32 v26, v26;
	v36 =	vmul.f32 v25, v25;
	v24 =	vadd.f32 v25, v25  }
0xd1: {  	v32 =	vmul.f32 v27, v27;
	v27 =	vadd.f32 v27, v27;
	v25 =	vmul.f32 v30, v30  }
0xd2: {  	v34 =	vmul.f32 v28, v28;
	v28 =	vadd.f32 v28, v28;
	v33 =	vmul.f32 v29, v29  }
0xd3: {  	v37 =	vadd.f32 v29, v29;
	v29 =	vmul.f32 $1.428571490e-01, v21;
	v35 =	vmul.f32 $1.428571490e-01, v25  }
0xd4: {  	v39 =	vmul.f32 $1.428571490e-01, v22;
	v30 =	vadd.f32 v30, v30;
	v38 =	vmul.f32 $1.428571490e-01, v33  }
0xd5: {  	v40 =	vmul.f32 $1.428571490e-01, v36;
	v41 =	vmul.f32 $1.428571490e-01, v26;
	v35 =	vadd.f32 $2.000000030e-01, v35  }
0xd6: {  	v43 =	vmul.f32 $1.428571490e-01, v32;
	v42 =	vmul.f32 $1.428571490e-01, v34;
	v38 =	vadd.f32 $2.000000030e-01, v38  }
0xd7: {  	v39 =	vadd.f32 $2.000000030e-01, v39;
	v29 =	vadd.f32 $2.000000030e-01, v29;
	v35 =	vmul.f32 v35, v25  }
0xd8: {  	v41 =	vadd.f32 $2.000000030e-01, v41;
	v42 =	vadd.f32 $2.000000030e-01, v42;
	v38 =	vmul.f32 v38, v33  }
0xd9: {  	v43 =	vadd.f32 $2.000000030e-01, v43;
	v29 =	vmul.f32 v29, v21;
	v35 =	vadd.f32 $3.333333430e-01, v35  }
0xda: {  	v39 =	vmul.f32 v39, v22;
	v42 =	vmul.f32 v42, v34;
	v38 =	vadd.f32 $3.333333430e-01, v38  }
0xdb: {  	v25 =	vmul.f32 v35, v25;
	v35 =	vadd.f32 $2.000000030e-01, v40;
	v40 =	vmul.f32 v41, v26  }
0xdc: {  	v33 =	vmul.f32 v38, v33;
	v38 =	vadd.f32 $3.333333430e-01, v42;
	v41 =	vmul.f32 v43, v32  }
.Ltmp0:
0xdd: {  	v29 =	vadd.f32 $3.333333430e-01, v29;
	v25 =	vadd.f32 $1.000000000e+00, v25;
	v35 =	vmul.f32 v35, v36;
	(pc) =	sbr.rel @p1 .LBB2_1-.Ltmp0, $4  }
0xde: {  	v33 =	vadd.f32 $1.000000000e+00, v33;
	v34 =	vmul.f32 v38, v34;
	v38 =	vadd.f32 $3.333333430e-01, v41  }
0xdf: {  	v25 =	vmul.f32 v25, v30;
	v41 =	vadd.f32 $3.333333430e-01, v35;
	v30 =	vadd.f32 $3.333333430e-01, v39  }
0xe0: {  	v33 =	vmul.f32 v33, v37;
	v34 =	vadd.f32 $1.000000000e+00, v34;
	v35 =	vmul.f32 v38, v32  }
0xe1: {  	s8 =	sadd.s32 $0x80, s8;
	v32 =	vadd.f32 v25, v31;
	v31 =	vmul.f32 v41, v36;
	v36 =	vadd.f32 $3.333333430e-01, v40  }
0xe2: {  	v0 =	vadd.f32 v33, v23  }
0xe3: {  	v46 =	vmul.f32 v34, v28;
	v25 =	vadd.f32 $1.000000000e+00, v35;
	v1 =	vadd.f32 v32, v1  }
0xe4: {  	v26 =	vmul.f32 v36, v26;
	v47 =	vadd.f32 $1.000000000e+00, v31  }
0xe5: {  	v19 =	vadd.f32 v46, v19;
	v48 =	vmul.f32 v25, v27;
	v0 =	vadd.f32 v0, v1  }
0xe6: {  	v22 =	vmul.f32 v30, v22;
	v51 =	vadd.f32 $1.000000000e+00, v26  }
0xe7: {  	v50 =	vmul.f32 v47, v24;
	v16 =	vadd.f32 v48, v16;
	v0 =	vadd.f32 v19, v0  }
0xe8: {  	v49 =	vadd.f32 v18, v7;
	v52 =	vmul.f32 v29, v21;
	v54 =	vadd.f32 $1.000000000e+00, v22  }
0xe9: {  	v7 =	vadd.f32 v50, v14;
	v53 =	vmul.f32 v51, v20;
	v0 =	vadd.f32 v16, v0  }
0xea: {  	v4 =	vmax.f32 v4, $0.0e+00;
	v56 =	vadd.f32 $1.000000000e+00, v52;
	v1 =	vadd.f32 v13, v49  }
0xeb: {  	v55 =	vmul.f32 v54, v17;
	v4 =	vadd.f32 v53, v4;
	v0 =	vadd.f32 v7, v0  }
0xec: {  	v3 =	vmax.f32 v3, $0.0e+00;
	v1 =	vadd.f32 v12, v1  }
0xed: {  	v57 =	vmul.f32 v56, v15;
	v3 =	vadd.f32 v55, v3;
	v0 =	vadd.f32 v4, v0  }
0xee: {  	v2 =	vmax.f32 v2, $0.0e+00;
	v1 =	vadd.f32 v11, v1  }
0xef: {  	v2 =	vadd.f32 v57, v2;
	v0 =	vadd.f32 v3, v0  }
0xf0: {  	v1 =	vadd.f32 v9, v1  }
0xf1: {  	v0 =	vadd.f32 v2, v0  }
0xf2: {  	v58 =	vmul.f32 v10, v10;
	v1 =	vadd.f32 v8, v1  }
0xf3: {  	v59 =	vsel vm0, v6, v5;
	(xrf2) =	vadd.scan.msk.f32 $0xffff, v0  }
0xf4: {  	v61 =	vmul.f32 v59, v59;
	v60 =	vadd.f32 v58, v1;
	_ =	sdelay $0x1  }
0xf5: {  	v0 =	vadd.f32 v61, v60;
	_ =	sdelay $0x1  }
0xf6: {  	(xrf2) =	vadd.scan.msk.f32 $0xffff, v0;
	_ =	sdelay $0x4  }
0xf7: {  	v62, _, _ =	vpop (xrf2)  }
0xf8: {  	(v2sf) =	vpush v62, $0xF;
	_ =	sdelay $0x3  }
0xf9: {  	v63, _, _ =	vpop (xrf2)  }
0xfa: {  	(v2sf) =	vpush v63, $0xF;
	_ =	sdelay $0x9  }
0xfb: {  	s3 =	spop (v2sf)  }
0xfc: {  	s3 =	smul.f32 $2.560000000e+02, s3;
	_ =	sdelay $0x1  }
0xfd: {  	s3 =	sadd.f32 $5.000000000e-01, s3;
	_ =	sdelay $0x1  }
0xfe: {  	s5 =	simm.s32 $0x2;
	s4 =	spop (v2sf);
	s3 =	scvt.f32.s32 s3  }
0xff: {  	s6 =	simm.s32 $0x0;
	[sflag:s5] =	ssyncset.done $0x0;
	s4 =	smul.f32 $2.560000000e+02, s4  }
0x100: {  	[smem:s6], [sflag:$0x2] =	smem.add.s32 s3  }
0x101: {  	s29 =	sadd.f32 $5.000000000e-01, s4;
	_ =	swait.done [sflag:s5]  }
0x102: {  	[sflag:s5] =	ssyncset.s32 $0x0  }
0x103: {  	s30 =	simm.s32 $0x3;
	s3 =	scvt.f32.s32 s29;
	[sflag:s5] =	ssyncset.done $0x0  }
0x104: {  	s31 =	simm.s32 $0x1;
	[sflag:s30] =	ssyncset.done $0x0  }
0x105: {  	[smem:s31], [sflag:$0x3] =	smem.add.s32 s3  }
0x106: {  	_ =	swait.done [sflag:s30]  }
0x107: {  	[sflag:s30] =	ssyncset.s32 $0x0  }
0x108: {  	[sflag:s30] =	ssyncset.done $0x0  }
0x109: {  	[bflag:$0x0] =	sbarrier.arrive $0xFFFF  }
0x10a: {  	_ =	sfence.sel @p0 $0x180000  }
0x10b: {  	[bflag:$0x0] =	sbarrier.arrive @p0 $0xFFFF  }
0x10c: {  	_ =	strace @p0 $0x90000047  }
0x10d: {  	[bflag:$0x2] =	sbarrier.arrive @p0 $0xFFFF  }
0x10e: {  	s3 =	sld @!p0 [smem:$0x1]  }
0x10f: {  	s4 =	sld @!p0 [smem:$0x0];
	_ =	sdelay $0x1  }
0x110: {  	s3 =	scvt.s32.f32 @!p0 s3  }
0x111: {  	s4 =	scvt.s32.f32 @!p0 s4  }
0x112: {  	s3 =	smul.f32 @!p0 $2.384185790e-07, s3  }
0x113: {  	s4 =	smul.f32 @!p0 $2.384185790e-07, s4  }
0x114: {  	s5 =	smul.f32 @!p0 $5.000000000e-01, s3;
	_ =	sdelay $0x1  }
0x115: {  	s4 =	sadd.f32 @!p0 s5, s4  }
0x116: {  	v0 =	vmov @!p0 s3  }
0x117: {  	[tilespmem:$0x1400] =	vst @!p0 v0;
	v0 =	vmov @!p0 s4  }
0x118: {  	s3 =	simm.s32 @!p0 $0x0;
	s4 =	simm.s32 @!p0 $0x1400;
	[tilespmem:$0x1480] =	vst @!p0 v0  }
0x119: {  	[hbm4b:s2+s3] =	stream.linear.scatter @!p0 [tilespmem:s4], [sflag:$0x4], $0x1, $0x38;
	[tilespmem:$0x1500] =	vst v63  }
0x11a: {  	s2 =	simm.s32 @!p0 $0x4  }
0x11b: {  	_ =	swait.ge @!p0 [sflag:s2], $0x1  }
0x11c: {  	[sflag:s2] =	ssyncset.done @!p0 $0x0  }
0x11d: {  	s4 =	simm.s32 @!p0 $0x1480;
	[sflag:s2] =	ssyncadd.s32 @!p0 $0xFFFFFFFF  }
0x11e: {  	[hbm4b:s1+s3] =	stream.linear.scatter @!p0 [tilespmem:s4], [sflag:$0x4], $0x1, $0x38;
	[tilespmem:$0x1500] =	vst v63  }
0x11f: {  	_ =	swait.ge @!p0 [sflag:s2], $0x1  }
0x120: {  	[sflag:s2] =	ssyncset.done @!p0 $0x0  }
0x121: {  	[sflag:s2] =	ssyncadd.s32 @!p0 $0xFFFFFFFF  }
0x122: {  	_ =	sfence.sel @!p0 $0x180000  }
0x123: {  	[bflag:$0x0] =	sbarrier.arrive @!p0 $0xFFFF  }
0x124: {  	_ =	strace @!p0 $0x90000047  }
0x125: {  	s0 =	sadd.s32 @!p0 $0x100000, s0;
	[bflag:$0x2] =	sbarrier.arrive @!p0 $0xFFFF  }
0x126: {  	[sflag:s0] =	ssyncadd.tile.s32 @!p0 $0x1;
	_ =	shalt  }
.Lfunc_end2:
_tile_overlayer_lowered:
.L_overlay_start_2:
0x127: {  	(tag) =	ssettag $0x2  }
0x128: {  	s0 =	rddreg [dreg:$0x0];
	s2 =	stileid.u32  }
0x129: {  	s1 =	rddreg [dreg:$0x1];
	p0 =	sne.s32 s2, $0x0  }
0x12a: {  	s3 =	rddreg [dreg:$0x2];
	[bflag:$0x3] =	sbarrier.arrive $0xFFFF;
	s2 =	simm.s32 @!p0 $0x1C02  }
0x12b: {  	[timem:s3], [sflag:s2] =	dma.local @!p0 [hbm:s0], s1  }
0x12c: {  	s0 =	simm.s32 @!p0 $0x2  }
0x12d: {  	_ =	swait.ge @!p0 [sflag:s0], s1  }
0x12e: {  	s1 =	ssub.s32 @!p0 $0x0, s1;
	[sflag:s0] =	ssyncset.done @!p0 $0x0  }
0x12f: {  	[sflag:s0] =	ssyncadd.s32 @!p0 s1  }
0x130: {  	[bflag:$0x3] =	sbarrier.arrive $0xFFFF  }
0x131: {  	_ =	shalt  }

</sc_bundles>
